<compile_context>
chip_gen: v7x
topology: tpu7x:2x2x1
jax: 0.10.2.dev20260603
libtpu: 0.0.44.dev20260713+nightly
codegen_flags: <defaults>
</compile_context>

<pallas_src>
import functools

import jax
import jax.numpy as jnp
from jax import lax
from jax.experimental import pallas as pl
from jax.experimental.pallas import tpu as pltpu
from jax.experimental.pallas import tpu_sc as plsc

D_MODEL = 768
D_FF = 384
N_EXPERTS = 16
N_TOK = 2048

TILE = 128
G = N_TOK // TILE + N_EXPERTS
S = G * TILE

NC, NS = 2, 16
NW = NC * NS
CH = N_TOK // NW

BLK = 256


def _router_body(x_ref, gw_ref, p_ref, w_ref, te_ref, gc_ref, oh_ref):
    x = x_ref[...]
    gw = gw_ref[...]
    logits = lax.dot_general(x, gw, (((1,), (1,)), ((), ())),
                             preferred_element_type=jnp.float32)
    m = jnp.max(logits, axis=1, keepdims=True)
    s = jnp.sum(jnp.exp(logits - m), axis=1, keepdims=True)
    w_ref[...] = jnp.broadcast_to(1.0 / s, (N_TOK, 128))

    eiota = lax.broadcasted_iota(jnp.int32, (N_TOK, N_EXPERTS), 1)
    eidx = jnp.min(jnp.where(logits == m, eiota, N_EXPERTS), axis=1,
                   keepdims=True)
    onehot = (eiota == eidx).astype(jnp.float32)
    oh_ref[...] = onehot

    counts = jnp.sum(onehot, axis=0, keepdims=True).astype(jnp.int32)
    pc = ((counts + (TILE - 1)) // TILE) * TILE
    pcf = pc.astype(jnp.float32)
    ii = lax.broadcasted_iota(jnp.int32, (N_EXPERTS, N_EXPERTS), 0)
    jj = lax.broadcasted_iota(jnp.int32, (N_EXPERTS, N_EXPERTS), 1)
    upper = (ii < jj).astype(jnp.float32)
    offs = lax.dot_general(pcf, upper, (((1,), (0,)), ((), ())),
                           preferred_element_type=jnp.float32)

    gt = lax.broadcasted_iota(jnp.int32, (G, N_EXPERTS), 0).astype(
        jnp.float32) * TILE
    ef = lax.broadcasted_iota(jnp.int32, (G, N_EXPERTS), 1).astype(jnp.float32)
    tmask = (gt >= offs) & (gt < offs + pcf)
    te_ref[...] = jnp.sum(jnp.where(tmask, ef, 0.0), axis=1,
                          keepdims=True).astype(jnp.int32)
    n_real = jnp.sum(pc) // TILE
    gi = lax.broadcasted_iota(jnp.int32, (G, 1), 0)
    gc_ref[...] = jnp.minimum(gi, n_real - 1)

    bi = lax.broadcasted_iota(jnp.int32, (BLK, BLK), 0)
    bj = lax.broadcasted_iota(jnp.int32, (BLK, BLK), 1)
    tril = (bj < bi).astype(jnp.float32)

    lane = lax.broadcasted_iota(jnp.int32, (BLK, 128), 1)
    rowm = lax.broadcasted_iota(jnp.int32, (BLK, 128), 0) % 128
    sel = (lane == rowm).astype(jnp.float32)
    rsel = (lax.broadcasted_iota(jnp.int32, (BLK // 128, BLK), 1) // 128 ==
            lax.broadcasted_iota(jnp.int32, (BLK // 128, BLK), 0)
            ).astype(jnp.float32)

    def body(b, carry):
        oh = oh_ref[pl.ds(b * BLK, BLK), :]
        ranks = lax.dot_general(tril, oh, (((1,), (0,)), ((), ())),
                                preferred_element_type=jnp.float32) + carry
        pos = jnp.sum(oh * (ranks + offs), axis=1, keepdims=True)
        posb = jnp.broadcast_to(pos, (BLK, 128)) * sel
        prows = lax.dot_general(rsel, posb, (((1,), (0,)), ((), ())),
                                preferred_element_type=jnp.float32,
                                precision=lax.Precision.HIGHEST)
        p_ref[pl.ds(b * (BLK // 128), BLK // 128), :] = prows.astype(jnp.int32)
        return carry + jnp.sum(oh, axis=0, keepdims=True)

    lax.fori_loop(0, N_TOK // BLK, body, jnp.zeros((1, N_EXPERTS), jnp.float32))


_router = pl.pallas_call(
    _router_body,
    out_shape=[
        jax.ShapeDtypeStruct((N_TOK // 128, 128), jnp.int32),
        jax.ShapeDtypeStruct((N_TOK, 128), jnp.float32),
        jax.ShapeDtypeStruct((G, 1), jnp.int32),
        jax.ShapeDtypeStruct((G, 1), jnp.int32),
    ],
    scratch_shapes=[pltpu.VMEM((N_TOK, N_EXPERTS), jnp.float32)],
)


def _expert_body(te_ref, gc_ref, xs_ref, ws_ref, fc1_ref, fc2_ref, ys_ref):
    i = pl.program_id(0)

    @pl.when(gc_ref[i] == i)
    def _():
        xb = xs_ref[...]
        h = lax.dot_general(xb, fc1_ref[0], (((1,), (1,)), ((), ())),
                            preferred_element_type=jnp.float32)
        h1 = h[:, :D_FF]
        g = h[:, D_FF:]
        act = h1 * (g / (1.0 + jnp.exp(-g)))
        y = lax.dot_general(act, fc2_ref[0], (((1,), (1,)), ((), ())),
                            preferred_element_type=jnp.float32)
        ys_ref[...] = y * ws_ref[:, 0:1]


_grouped = pl.pallas_call(
    _expert_body,
    grid_spec=pltpu.PrefetchScalarGridSpec(
        num_scalar_prefetch=2,
        grid=(G,),
        in_specs=[
            pl.BlockSpec((TILE, D_MODEL), lambda i, te, gc: (gc[i], 0)),
            pl.BlockSpec((TILE, 128), lambda i, te, gc: (gc[i], 0)),
            pl.BlockSpec((1, 2 * D_FF, D_MODEL),
                         lambda i, te, gc: (te[gc[i]], 0, 0)),
            pl.BlockSpec((1, D_MODEL, D_FF),
                         lambda i, te, gc: (te[gc[i]], 0, 0)),
        ],
        out_specs=pl.BlockSpec((TILE, D_MODEL), lambda i, te, gc: (gc[i], 0)),
    ),
    out_shape=jax.ShapeDtypeStruct((S, D_MODEL), jnp.float32),
)

def _sc_scatter_body(x_hbm, p_hbm, w_hbm, xs_hbm, ws_hbm,
                     idx_v, rows_v, w_v, sem):
    wid = lax.axis_index("s") * NC + lax.axis_index("c")
    base = wid * CH
    pltpu.sync_copy(p_hbm.at[pl.ds(base, CH)], idx_v)
    pltpu.sync_copy(x_hbm.at[pl.ds(base, CH)], rows_v)
    pltpu.sync_copy(w_hbm.at[pl.ds(base, CH)], w_v)
    cp = pltpu.async_copy(rows_v, xs_hbm.at[idx_v], sem)
    pltpu.async_copy(w_v, ws_hbm.at[idx_v], sem).wait()
    cp.wait()


def _sc_gather_body(ys_hbm, p_hbm, out_hbm, idx_v, rows_v, sem):
    wid = lax.axis_index("s") * NC + lax.axis_index("c")
    base = wid * CH
    pltpu.sync_copy(p_hbm.at[pl.ds(base, CH)], idx_v)
    pltpu.async_copy(ys_hbm.at[idx_v], rows_v, sem).wait()
    pltpu.sync_copy(rows_v, out_hbm.at[pl.ds(base, CH)])


@functools.lru_cache(maxsize=1)
def _sc_kernels():
    mesh = plsc.VectorSubcoreMesh(core_axis_name="c", subcore_axis_name="s",
                                  num_cores=NC, num_subcores=NS)
    scatter = pl.kernel(
        _sc_scatter_body,
        mesh=mesh,
        out_type=(
            jax.ShapeDtypeStruct((S, D_MODEL), jnp.float32),
            jax.ShapeDtypeStruct((S, 128), jnp.float32),
        ),
        scratch_types=[
            pltpu.VMEM((CH,), jnp.int32),
            pltpu.VMEM((CH, D_MODEL), jnp.float32),
            pltpu.VMEM((CH, 128), jnp.float32),
            pltpu.SemaphoreType.DMA,
        ],
    )
    gather = pl.kernel(
        _sc_gather_body,
        mesh=mesh,
        out_type=jax.ShapeDtypeStruct((N_TOK, D_MODEL), jnp.float32),
        scratch_types=[
            pltpu.VMEM((CH,), jnp.int32),
            pltpu.VMEM((CH, D_MODEL), jnp.float32),
            pltpu.SemaphoreType.DMA,
        ],
    )
    return scatter, gather


def kernel(x, gate_weight, fc1_weight, fc2_weight):
    p2, w2, te2, gc2 = _router(x, gate_weight)
    p = p2.reshape(N_TOK)
    te = te2.reshape(G)
    gc = gc2.reshape(G)
    sc_scatter, sc_gather = _sc_kernels()
    xs, ws = sc_scatter(x, p, w2)
    ys = _grouped(te, gc, xs, ws, fc1_weight, fc2_weight)
    return sc_gather(ys, p)

# --- scband reference (transcript-rebuilt; emitter-appended) ---
"""Pipeline reference for scband-mo-e-78099685310874 (READ-ONLY COPY).

The authoritative reference and input builder live on the scoring server;
editing this copy changes nothing except your own understanding.
"""

import jax, jax.numpy as jnp
import numpy as np

D_MODEL = 768
D_FF = 384
N_EXPERTS = 16
TOP_K = 1
N_TOK = 2048


def setup_inputs(seed: int = 0) -> dict:
    key = jax.random.key(seed)
    k1, k2, k3, k4 = jax.random.split(key, 4)
    x = jax.random.normal(k1, (N_TOK, D_MODEL), dtype=jnp.float32)
    # Gate linear weight (Gate module): [n_routed_experts, d_model]
    bg = 1.0 / np.sqrt(D_MODEL)
    gate_weight = jax.random.uniform(k2, (N_EXPERTS, D_MODEL), jnp.float32, -bg, bg)
    # RoutedExpertsWeights: fc1 [E, 2*d_intermediate, in_features], fc2 [E, in_features, d_intermediate]
    # kaiming_uniform_(a=sqrt(5)) ~ U(-1/sqrt(fan_in), 1/sqrt(fan_in))
    b1 = 1.0 / np.sqrt(D_MODEL)
    b2 = 1.0 / np.sqrt(D_FF)
    fc1_weight = jax.random.uniform(k3, (N_EXPERTS, 2 * D_FF, D_MODEL), jnp.float32, -b1, b1)
    fc2_weight = jax.random.uniform(k4, (N_EXPERTS, D_MODEL, D_FF), jnp.float32, -b2, b2)
    return {"x": x, "gate_weight": gate_weight, "fc1_weight": fc1_weight, "fc2_weight": fc2_weight}


def reference(x, gate_weight, fc1_weight, fc2_weight):
    # --- Gate: softmax scores, top-k selection (score_func='softmax', route_scale=1.0) ---
    logits = x @ gate_weight.T  # [N, E]
    scores = jax.nn.softmax(logits.astype(jnp.float32), axis=-1)
    weights, indices = jax.lax.top_k(scores, TOP_K)  # [N, k], [N, k]
    # combine weights per expert: [N, E]
    combine = (jax.nn.one_hot(indices, N_EXPERTS, dtype=x.dtype) * weights[..., None].astype(x.dtype)).sum(axis=1)

    # --- Routed experts (gated MLP per expert; matches _get_single_exp_output) ---
    def body(acc, ew):
        fc1_e, fc2_e, cw = ew
        h = x @ fc1_e.T                      # [N, 2*d_ff]
        h1, gate = jnp.split(h, 2, axis=-1)  # chunk(2, dim=-1)
        h = h1 * jax.nn.silu(gate)           # y * activation(gate), activation=F.silu
        y = h @ fc2_e.T                      # [N, d_model]
        return acc + cw[:, None] * y, None

    out, _ = jax.lax.scan(body, jnp.zeros_like(x), (fc1_weight, fc2_weight, combine.T))
    return out


if False:  # reference __main__ guard neutralized (emitter)
    inp = setup_inputs()
    o = reference(**inp)
    print(o.shape, o.dtype)

if __name__ == "__main__":
    import jax
    _d = setup_inputs()
    print(jax.jit(kernel)(*tuple(_d.values())))

</pallas_src>

<mosaic_0001>
#map = affine_map<(d0, d1) -> (0, 0)>
#map1 = affine_map<(d0, d1) -> (0)>
module attributes {stable_mosaic.version = 14 : i64} {
  func.func @_sc_gather_body(%arg0: i32, %arg1: i32, %arg2: memref<4096x768xf32, #tpu.memory_space<hbm>>, %arg3: memref<2048xi32, #tpu.memory_space<hbm>>, %arg4: memref<2048x768xf32, #tpu.memory_space<hbm>>, %arg5: memref<64xi32, #tpu.memory_space<vmem>>, %arg6: memref<64x768xf32, #tpu.memory_space<vmem>>, %arg7: memref<!tpu.dma_semaphore, #tpu.memory_space<semaphore_mem>>) attributes {dimension_semantics = [#tpu.dimension_semantics<core_parallel>, #tpu.dimension_semantics<subcore_parallel>], iteration_bounds = array<i64: 2, 16>, scalar_prefetch = 0 : i64, scratch_operands = 3 : i64, tpu.core_type = #tpu.core_type<sc_vector_subcore>, window_params = [{transform_indices = #map}, {transform_indices = #map1}, {transform_indices = #map}]} {
    %mul3A = arith.constant 2 : i32
    %mul3A_0 = arith.muli %arg1, %mul3A : i32
    %add3A = arith.addi %mul3A_0, %arg0 : i32
    %mul3A_1 = arith.constant 64 : i32
    %mul3A_2 = arith.muli %add3A, %mul3A_1 : i32
    "tpu.region"() ({
      %run_scoped3A = tpu.sem_alloc : memref<!tpu.dma_semaphore, #tpu.memory_space<semaphore_mem>>
      %dma_start3A_7 = tpu.memref_slice %arg3[%mul3A_2] : memref<2048xi32, #tpu.memory_space<hbm>> -> memref<64xi32, #tpu.memory_space<hbm>>
      %dma_start3A_8 = tpu.memref_slice %arg3[%mul3A_2] : memref<2048xi32, #tpu.memory_space<hbm>> -> memref<64xi32, #tpu.memory_space<hbm>>
      tpu.enqueue_dma source(%dma_start3A_8 : memref<64xi32, #tpu.memory_space<hbm>>) target(%arg5 : memref<64xi32, #tpu.memory_space<vmem>>) target_semaphore(%run_scoped3A : memref<!tpu.dma_semaphore, #tpu.memory_space<semaphore_mem>>)
      %dma_wait3A_9 = tpu.memref_slice %arg3[%mul3A_2] : memref<2048xi32, #tpu.memory_space<hbm>> -> memref<64xi32, #tpu.memory_space<hbm>>
      %dma_wait3A_10 = tpu.memref_slice %arg3[%mul3A_2] : memref<2048xi32, #tpu.memory_space<hbm>> -> memref<64xi32, #tpu.memory_space<hbm>>
      tpu.wait_dma2 semaphore(%run_scoped3A : memref<!tpu.dma_semaphore, #tpu.memory_space<semaphore_mem>>) src(%dma_wait3A_10 : memref<64xi32, #tpu.memory_space<hbm>>) dst(%arg5 : memref<64xi32, #tpu.memory_space<vmem>>)
      tpu.yield
    }) : () -> ()
    %dma_start3A = arith.constant 0 : i32
    %dma_start3A_3 = arith.constant 0 : i32
    %dma_start3A_4 = tpu.memref_slice %arg2[%dma_start3A, %dma_start3A_3] : memref<4096x768xf32, #tpu.memory_space<hbm>> -> memref<4096x768xf32, #tpu.memory_space<hbm>>
    tpu.enqueue_indirect_dma source(%dma_start3A_4 : memref<4096x768xf32, #tpu.memory_space<hbm>>) target(%arg6 : memref<64x768xf32, #tpu.memory_space<vmem>>) offsets(%arg5 : memref<64xi32, #tpu.memory_space<vmem>>) semaphore(%arg7 : memref<!tpu.dma_semaphore, #tpu.memory_space<semaphore_mem>>)
    %dma_wait3A = arith.constant 0 : i32
    %dma_wait3A_5 = arith.constant 0 : i32
    %dma_wait3A_6 = tpu.memref_slice %arg2[%dma_wait3A, %dma_wait3A_5] : memref<4096x768xf32, #tpu.memory_space<hbm>> -> memref<4096x768xf32, #tpu.memory_space<hbm>>
    tpu.wait_indirect_dma semaphore(%arg7 : memref<!tpu.dma_semaphore, #tpu.memory_space<semaphore_mem>>) src(%dma_wait3A_6 : memref<4096x768xf32, #tpu.memory_space<hbm>>) dst(%arg6 : memref<64x768xf32, #tpu.memory_space<vmem>>)
    "tpu.region"() ({
      %run_scoped3A = tpu.sem_alloc : memref<!tpu.dma_semaphore, #tpu.memory_space<semaphore_mem>>
      %dma_start3A_7 = arith.constant 0 : i32
      %dma_start3A_8 = tpu.memref_slice %arg4[%mul3A_2, %dma_start3A_7] : memref<2048x768xf32, #tpu.memory_space<hbm>> -> memref<64x768xf32, #tpu.memory_space<hbm>>
      %dma_start3A_9 = arith.constant 0 : i32
      %dma_start3A_10 = tpu.memref_slice %arg4[%mul3A_2, %dma_start3A_9] : memref<2048x768xf32, #tpu.memory_space<hbm>> -> memref<64x768xf32, #tpu.memory_space<hbm>>
      tpu.enqueue_dma source(%arg6 : memref<64x768xf32, #tpu.memory_space<vmem>>) target(%dma_start3A_10 : memref<64x768xf32, #tpu.memory_space<hbm>>) target_semaphore(%run_scoped3A : memref<!tpu.dma_semaphore, #tpu.memory_space<semaphore_mem>>)
      %dma_wait3A_11 = arith.constant 0 : i32
      %dma_wait3A_12 = tpu.memref_slice %arg4[%mul3A_2, %dma_wait3A_11] : memref<2048x768xf32, #tpu.memory_space<hbm>> -> memref<64x768xf32, #tpu.memory_space<hbm>>
      %dma_wait3A_13 = arith.constant 0 : i32
      %dma_wait3A_14 = tpu.memref_slice %arg4[%mul3A_2, %dma_wait3A_13] : memref<2048x768xf32, #tpu.memory_space<hbm>> -> memref<64x768xf32, #tpu.memory_space<hbm>>
      tpu.wait_dma2 semaphore(%run_scoped3A : memref<!tpu.dma_semaphore, #tpu.memory_space<semaphore_mem>>) src(%arg6 : memref<64x768xf32, #tpu.memory_space<vmem>>) dst(%dma_wait3A_14 : memref<64x768xf32, #tpu.memory_space<hbm>>)
      tpu.yield
    }) : () -> ()
    return
  }
}

#map = affine_map<(d0, d1) -> (0, 0)>
#map1 = affine_map<(d0, d1) -> (0)>
module attributes {stable_mosaic.version = 14 : i64} {
  func.func @_sc_scatter_body(%arg0: i32, %arg1: i32, %arg2: memref<2048x768xf32, #tpu.memory_space<hbm>>, %arg3: memref<2048xi32, #tpu.memory_space<hbm>>, %arg4: memref<2048x128xf32, #tpu.memory_space<hbm>>, %arg5: memref<4096x768xf32, #tpu.memory_space<hbm>>, %arg6: memref<4096x128xf32, #tpu.memory_space<hbm>>, %arg7: memref<64xi32, #tpu.memory_space<vmem>>, %arg8: memref<64x768xf32, #tpu.memory_space<vmem>>, %arg9: memref<64x128xf32, #tpu.memory_space<vmem>>, %arg10: memref<!tpu.dma_semaphore, #tpu.memory_space<semaphore_mem>>) attributes {dimension_semantics = [#tpu.dimension_semantics<core_parallel>, #tpu.dimension_semantics<subcore_parallel>], iteration_bounds = array<i64: 2, 16>, scalar_prefetch = 0 : i64, scratch_operands = 4 : i64, tpu.core_type = #tpu.core_type<sc_vector_subcore>, window_params = [{transform_indices = #map}, {transform_indices = #map1}, {transform_indices = #map}, {transform_indices = #map}, {transform_indices = #map}]} {
    %mul3A = arith.constant 2 : i32
    %mul3A_0 = arith.muli %arg1, %mul3A : i32
    %add3A = arith.addi %mul3A_0, %arg0 : i32
    %mul3A_1 = arith.constant 64 : i32
    %mul3A_2 = arith.muli %add3A, %mul3A_1 : i32
    "tpu.region"() ({
      %run_scoped3A = tpu.sem_alloc : memref<!tpu.dma_semaphore, #tpu.memory_space<semaphore_mem>>
      %dma_start3A_13 = tpu.memref_slice %arg3[%mul3A_2] : memref<2048xi32, #tpu.memory_space<hbm>> -> memref<64xi32, #tpu.memory_space<hbm>>
      %dma_start3A_14 = tpu.memref_slice %arg3[%mul3A_2] : memref<2048xi32, #tpu.memory_space<hbm>> -> memref<64xi32, #tpu.memory_space<hbm>>
      tpu.enqueue_dma source(%dma_start3A_14 : memref<64xi32, #tpu.memory_space<hbm>>) target(%arg7 : memref<64xi32, #tpu.memory_space<vmem>>) target_semaphore(%run_scoped3A : memref<!tpu.dma_semaphore, #tpu.memory_space<semaphore_mem>>)
      %dma_wait3A_15 = tpu.memref_slice %arg3[%mul3A_2] : memref<2048xi32, #tpu.memory_space<hbm>> -> memref<64xi32, #tpu.memory_space<hbm>>
      %dma_wait3A_16 = tpu.memref_slice %arg3[%mul3A_2] : memref<2048xi32, #tpu.memory_space<hbm>> -> memref<64xi32, #tpu.memory_space<hbm>>
      tpu.wait_dma2 semaphore(%run_scoped3A : memref<!tpu.dma_semaphore, #tpu.memory_space<semaphore_mem>>) src(%dma_wait3A_16 : memref<64xi32, #tpu.memory_space<hbm>>) dst(%arg7 : memref<64xi32, #tpu.memory_space<vmem>>)
      tpu.yield
    }) : () -> ()
    "tpu.region"() ({
      %run_scoped3A = tpu.sem_alloc : memref<!tpu.dma_semaphore, #tpu.memory_space<semaphore_mem>>
      %dma_start3A_13 = arith.constant 0 : i32
      %dma_start3A_14 = tpu.memref_slice %arg2[%mul3A_2, %dma_start3A_13] : memref<2048x768xf32, #tpu.memory_space<hbm>> -> memref<64x768xf32, #tpu.memory_space<hbm>>
      %dma_start3A_15 = arith.constant 0 : i32
      %dma_start3A_16 = tpu.memref_slice %arg2[%mul3A_2, %dma_start3A_15] : memref<2048x768xf32, #tpu.memory_space<hbm>> -> memref<64x768xf32, #tpu.memory_space<hbm>>
      tpu.enqueue_dma source(%dma_start3A_16 : memref<64x768xf32, #tpu.memory_space<hbm>>) target(%arg8 : memref<64x768xf32, #tpu.memory_space<vmem>>) target_semaphore(%run_scoped3A : memref<!tpu.dma_semaphore, #tpu.memory_space<semaphore_mem>>)
      %dma_wait3A_17 = arith.constant 0 : i32
      %dma_wait3A_18 = tpu.memref_slice %arg2[%mul3A_2, %dma_wait3A_17] : memref<2048x768xf32, #tpu.memory_space<hbm>> -> memref<64x768xf32, #tpu.memory_space<hbm>>
      %dma_wait3A_19 = arith.constant 0 : i32
      %dma_wait3A_20 = tpu.memref_slice %arg2[%mul3A_2, %dma_wait3A_19] : memref<2048x768xf32, #tpu.memory_space<hbm>> -> memref<64x768xf32, #tpu.memory_space<hbm>>
      tpu.wait_dma2 semaphore(%run_scoped3A : memref<!tpu.dma_semaphore, #tpu.memory_space<semaphore_mem>>) src(%dma_wait3A_20 : memref<64x768xf32, #tpu.memory_space<hbm>>) dst(%arg8 : memref<64x768xf32, #tpu.memory_space<vmem>>)
      tpu.yield
    }) : () -> ()
    "tpu.region"() ({
      %run_scoped3A = tpu.sem_alloc : memref<!tpu.dma_semaphore, #tpu.memory_space<semaphore_mem>>
      %dma_start3A_13 = arith.constant 0 : i32
      %dma_start3A_14 = tpu.memref_slice %arg4[%mul3A_2, %dma_start3A_13] : memref<2048x128xf32, #tpu.memory_space<hbm>> -> memref<64x128xf32, #tpu.memory_space<hbm>>
      %dma_start3A_15 = arith.constant 0 : i32
      %dma_start3A_16 = tpu.memref_slice %arg4[%mul3A_2, %dma_start3A_15] : memref<2048x128xf32, #tpu.memory_space<hbm>> -> memref<64x128xf32, #tpu.memory_space<hbm>>
      tpu.enqueue_dma source(%dma_start3A_16 : memref<64x128xf32, #tpu.memory_space<hbm>>) target(%arg9 : memref<64x128xf32, #tpu.memory_space<vmem>>) target_semaphore(%run_scoped3A : memref<!tpu.dma_semaphore, #tpu.memory_space<semaphore_mem>>)
      %dma_wait3A_17 = arith.constant 0 : i32
      %dma_wait3A_18 = tpu.memref_slice %arg4[%mul3A_2, %dma_wait3A_17] : memref<2048x128xf32, #tpu.memory_space<hbm>> -> memref<64x128xf32, #tpu.memory_space<hbm>>
      %dma_wait3A_19 = arith.constant 0 : i32
      %dma_wait3A_20 = tpu.memref_slice %arg4[%mul3A_2, %dma_wait3A_19] : memref<2048x128xf32, #tpu.memory_space<hbm>> -> memref<64x128xf32, #tpu.memory_space<hbm>>
      tpu.wait_dma2 semaphore(%run_scoped3A : memref<!tpu.dma_semaphore, #tpu.memory_space<semaphore_mem>>) src(%dma_wait3A_20 : memref<64x128xf32, #tpu.memory_space<hbm>>) dst(%arg9 : memref<64x128xf32, #tpu.memory_space<vmem>>)
      tpu.yield
    }) : () -> ()
    %dma_start3A = arith.constant 0 : i32
    %dma_start3A_3 = arith.constant 0 : i32
    %dma_start3A_4 = tpu.memref_slice %arg5[%dma_start3A, %dma_start3A_3] : memref<4096x768xf32, #tpu.memory_space<hbm>> -> memref<4096x768xf32, #tpu.memory_space<hbm>>
    tpu.enqueue_indirect_dma source(%arg8 : memref<64x768xf32, #tpu.memory_space<vmem>>) target(%dma_start3A_4 : memref<4096x768xf32, #tpu.memory_space<hbm>>) offsets(%arg7 : memref<64xi32, #tpu.memory_space<vmem>>) semaphore(%arg10 : memref<!tpu.dma_semaphore, #tpu.memory_space<semaphore_mem>>)
    %dma_start3A_5 = arith.constant 0 : i32
    %dma_start3A_6 = arith.constant 0 : i32
    %dma_start3A_7 = tpu.memref_slice %arg6[%dma_start3A_5, %dma_start3A_6] : memref<4096x128xf32, #tpu.memory_space<hbm>> -> memref<4096x128xf32, #tpu.memory_space<hbm>>
    tpu.enqueue_indirect_dma source(%arg9 : memref<64x128xf32, #tpu.memory_space<vmem>>) target(%dma_start3A_7 : memref<4096x128xf32, #tpu.memory_space<hbm>>) offsets(%arg7 : memref<64xi32, #tpu.memory_space<vmem>>) semaphore(%arg10 : memref<!tpu.dma_semaphore, #tpu.memory_space<semaphore_mem>>)
    %dma_wait3A = arith.constant 0 : i32
    %dma_wait3A_8 = arith.constant 0 : i32
    %dma_wait3A_9 = tpu.memref_slice %arg6[%dma_wait3A, %dma_wait3A_8] : memref<4096x128xf32, #tpu.memory_space<hbm>> -> memref<4096x128xf32, #tpu.memory_space<hbm>>
    tpu.wait_indirect_dma semaphore(%arg10 : memref<!tpu.dma_semaphore, #tpu.memory_space<semaphore_mem>>) src(%arg9 : memref<64x128xf32, #tpu.memory_space<vmem>>) dst(%dma_wait3A_9 : memref<4096x128xf32, #tpu.memory_space<hbm>>)
    %dma_wait3A_10 = arith.constant 0 : i32
    %dma_wait3A_11 = arith.constant 0 : i32
    %dma_wait3A_12 = tpu.memref_slice %arg5[%dma_wait3A_10, %dma_wait3A_11] : memref<4096x768xf32, #tpu.memory_space<hbm>> -> memref<4096x768xf32, #tpu.memory_space<hbm>>
    tpu.wait_indirect_dma semaphore(%arg10 : memref<!tpu.dma_semaphore, #tpu.memory_space<semaphore_mem>>) src(%arg8 : memref<64x768xf32, #tpu.memory_space<vmem>>) dst(%dma_wait3A_12 : memref<4096x768xf32, #tpu.memory_space<hbm>>)
    return
  }
}

module attributes {stable_mosaic.version = 14 : i64} {
  func.func @_expert_body(%arg0: i32, %arg1: memref<32xi32, #tpu.memory_space<smem>>, %arg2: memref<32xi32, #tpu.memory_space<smem>>, %arg3: memref<128x768xf32, #tpu.memory_space<vmem>>, %arg4: memref<128x128xf32, #tpu.memory_space<vmem>>, %arg5: memref<1x768x768xf32, #tpu.memory_space<vmem>>, %arg6: memref<1x768x384xf32, #tpu.memory_space<vmem>>, %arg7: memref<128x768xf32, #tpu.memory_space<vmem>>) attributes {dimension_semantics = [#tpu.dimension_semantics<arbitrary>], iteration_bounds = array<i64: 32>, scalar_prefetch = 2 : i64, scratch_operands = 0 : i64, tpu.core_type = #tpu.core_type<tc>, window_params = [{transform_indices = @transform_0, window_bounds = array<i64: 128, 768>}, {transform_indices = @transform_1, window_bounds = array<i64: 128, 128>}, {transform_indices = @transform_2, window_bounds = array<i64: 1, 768, 768>}, {transform_indices = @transform_3, window_bounds = array<i64: 1, 768, 384>}, {transform_indices = @transform_4, window_bounds = array<i64: 128, 768>}]} {
    %get3A = arith.index_cast %arg0 : i32 to index
    %get3A_0 = memref.load %arg2[%get3A] : memref<32xi32, #tpu.memory_space<smem>>
    %eq3A = arith.cmpi eq, %get3A_0, %arg0 : i32
    %convert_element_type3A = arith.extui %eq3A : i1 to i32
    %cond3A = arith.constant 0 : i32
    %cond3A_1 = arith.cmpi ne, %convert_element_type3A, %cond3A : i32
    scf.if %cond3A_1 {
      %get3A_2 = arith.constant 0 : index
      %get3A_3 = arith.constant 0 : index
      %get3A_4 = vector.load %arg3[%get3A_2, %get3A_3] : memref<128x768xf32, #tpu.memory_space<vmem>>, vector<128x768xf32>
      %get3A_5 = arith.constant 0 : index
      %get3A_6 = arith.constant 0 : index
      %get3A_7 = arith.constant 0 : index
      %get3A_8 = vector.load %arg5[%get3A_5, %get3A_6, %get3A_7] : memref<1x768x768xf32, #tpu.memory_space<vmem>>, vector<1x768x768xf32>
      %get3A_9 = vector.shape_cast %get3A_8 : vector<1x768x768xf32> to vector<768x768xf32>
      %dot_general3A = arith.constant dense<0.000000e+00> : vector<128x768xf32>
      %dot_general3A_10 = tpu.matmul %get3A_4, %get3A_9, %dot_general3A {dimension_numbers = #tpu.dot_dimension_numbers<[1], [1], [0], [0], [0, 0, 1, 0], [], []>, transpose_lhs_hint = false} : vector<128x768xf32>, vector<768x768xf32>, vector<128x768xf32> -> vector<128x768xf32>
      %slice3A = vector.extract_strided_slice %dot_general3A_10 {offsets = [0, 0], sizes = [128, 384], strides = [1, 1]} : vector<128x768xf32> to vector<128x384xf32>
      %slice3A_11 = vector.extract_strided_slice %dot_general3A_10 {offsets = [0, 384], sizes = [128, 384], strides = [1, 1]} : vector<128x768xf32> to vector<128x384xf32>
      %neg3A = arith.constant 0.000000e+00 : f32
      %neg3A_12 = vector.broadcast %neg3A : f32 to vector<128x384xf32>
      %neg3A_13 = arith.subf %neg3A_12, %slice3A_11 : vector<128x384xf32>
      %exp3A = math.exp %neg3A_13 : vector<128x384xf32>
      %add3A = arith.constant 1.000000e+00 : f32
      %add3A_14 = vector.broadcast %add3A : f32 to vector<128x384xf32>
      %add3A_15 = arith.addf %add3A_14, %exp3A : vector<128x384xf32>
      %div3A = arith.divf %slice3A_11, %add3A_15 : vector<128x384xf32>
      %mul3A = arith.mulf %slice3A, %div3A : vector<128x384xf32>
      %get3A_16 = arith.constant 0 : index
      %get3A_17 = arith.constant 0 : index
      %get3A_18 = arith.constant 0 : index
      %get3A_19 = vector.load %arg6[%get3A_16, %get3A_17, %get3A_18] : memref<1x768x384xf32, #tpu.memory_space<vmem>>, vector<1x768x384xf32>
      %get3A_20 = vector.shape_cast %get3A_19 : vector<1x768x384xf32> to vector<768x384xf32>
      %dot_general3A_21 = arith.constant dense<0.000000e+00> : vector<128x768xf32>
      %dot_general3A_22 = tpu.matmul %mul3A, %get3A_20, %dot_general3A_21 {dimension_numbers = #tpu.dot_dimension_numbers<[1], [1], [0], [0], [0, 0, 1, 0], [], []>, transpose_lhs_hint = false} : vector<128x384xf32>, vector<768x384xf32>, vector<128x768xf32> -> vector<128x768xf32>
      %get3A_23 = arith.constant 0 : index
      %get3A_24 = arith.constant 0 : index
      %get3A_25 = vector.load %arg4[%get3A_23, %get3A_24] : memref<128x128xf32, #tpu.memory_space<vmem>>, vector<128x1xf32>
      %mul3A_26 = vector.broadcast %get3A_25 : vector<128x1xf32> to vector<128x768xf32>
      %mul3A_27 = arith.mulf %dot_general3A_22, %mul3A_26 : vector<128x768xf32>
      %swap3A = arith.constant 0 : index
      %swap3A_28 = arith.constant 0 : index
      %swap3A_29 = vector.load %arg7[%swap3A, %swap3A_28] : memref<128x768xf32, #tpu.memory_space<vmem>>, vector<128x768xf32>
      tpu.vector_store %arg7[%swap3A, %swap3A_28], %mul3A_27 {strides = array<i32>} : memref<128x768xf32, #tpu.memory_space<vmem>>, vector<128x768xf32>,
    } else {
    }
    return
  }
  func.func @transform_0(%arg0: i32, %arg1: memref<32xi32, #tpu.memory_space<smem>>, %arg2: memref<32xi32, #tpu.memory_space<smem>>) -> (i32, i32) {
    %get3A = arith.index_cast %arg0 : i32 to index
    %get3A_0 = memref.load %arg2[%get3A] : memref<32xi32, #tpu.memory_space<smem>>
    %c0_i32 = arith.constant 0 : i32
    %c0_i32_1 = arith.constant 0 : i32
    return %get3A_0, %c0_i32 : i32, i32
  }
  func.func @transform_1(%arg0: i32, %arg1: memref<32xi32, #tpu.memory_space<smem>>, %arg2: memref<32xi32, #tpu.memory_space<smem>>) -> (i32, i32) {
    %get3A = arith.index_cast %arg0 : i32 to index
    %get3A_0 = memref.load %arg2[%get3A] : memref<32xi32, #tpu.memory_space<smem>>
    %c0_i32 = arith.constant 0 : i32
    %c0_i32_1 = arith.constant 0 : i32
    return %get3A_0, %c0_i32 : i32, i32
  }
  func.func @transform_2(%arg0: i32, %arg1: memref<32xi32, #tpu.memory_space<smem>>, %arg2: memref<32xi32, #tpu.memory_space<smem>>) -> (i32, i32, i32) {
    %get3A = arith.index_cast %arg0 : i32 to index
    %get3A_0 = memref.load %arg2[%get3A] : memref<32xi32, #tpu.memory_space<smem>>
    %get3A_1 = arith.index_cast %get3A_0 : i32 to index
    %get3A_2 = memref.load %arg1[%get3A_1] : memref<32xi32, #tpu.memory_space<smem>>
    %c0_i32 = arith.constant 0 : i32
    %c0_i32_3 = arith.constant 0 : i32
    %c0_i32_4 = arith.constant 0 : i32
    return %get3A_2, %c0_i32, %c0_i32_3 : i32, i32, i32
  }
  func.func @transform_3(%arg0: i32, %arg1: memref<32xi32, #tpu.memory_space<smem>>, %arg2: memref<32xi32, #tpu.memory_space<smem>>) -> (i32, i32, i32) {
    %get3A = arith.index_cast %arg0 : i32 to index
    %get3A_0 = memref.load %arg2[%get3A] : memref<32xi32, #tpu.memory_space<smem>>
    %get3A_1 = arith.index_cast %get3A_0 : i32 to index
    %get3A_2 = memref.load %arg1[%get3A_1] : memref<32xi32, #tpu.memory_space<smem>>
    %c0_i32 = arith.constant 0 : i32
    %c0_i32_3 = arith.constant 0 : i32
    %c0_i32_4 = arith.constant 0 : i32
    return %get3A_2, %c0_i32, %c0_i32_3 : i32, i32, i32
  }
  func.func @transform_4(%arg0: i32, %arg1: memref<32xi32, #tpu.memory_space<smem>>, %arg2: memref<32xi32, #tpu.memory_space<smem>>) -> (i32, i32) {
    %get3A = arith.index_cast %arg0 : i32 to index
    %get3A_0 = memref.load %arg2[%get3A] : memref<32xi32, #tpu.memory_space<smem>>
    %c0_i32 = arith.constant 0 : i32
    %c0_i32_1 = arith.constant 0 : i32
    return %get3A_0, %c0_i32 : i32, i32
  }
}

module attributes {stable_mosaic.version = 14 : i64} {
  func.func @_router_body(%arg0: memref<2048x768xf32, #tpu.memory_space<vmem>>, %arg1: memref<16x768xf32, #tpu.memory_space<vmem>>, %arg2: memref<16x128xi32, #tpu.memory_space<vmem>>, %arg3: memref<2048x128xf32, #tpu.memory_space<vmem>>, %arg4: memref<32x1xi32, #tpu.memory_space<vmem>>, %arg5: memref<32x1xi32, #tpu.memory_space<vmem>>, %arg6: memref<2048x16xf32, #tpu.memory_space<vmem>>) attributes {dimension_semantics = [], scalar_prefetch = 0 : i64, scratch_operands = 1 : i64, tpu.core_type = #tpu.core_type<tc>} {
    %get3A = arith.constant 0 : index
    %get3A_0 = arith.constant 0 : index
    %get3A_1 = vector.load %arg0[%get3A, %get3A_0] : memref<2048x768xf32, #tpu.memory_space<vmem>>, vector<2048x768xf32>
    %get3A_2 = arith.constant 0 : index
    %get3A_3 = arith.constant 0 : index
    %get3A_4 = vector.load %arg1[%get3A_2, %get3A_3] : memref<16x768xf32, #tpu.memory_space<vmem>>, vector<16x768xf32>
    %dot_general3A = arith.constant dense<0.000000e+00> : vector<2048x16xf32>
    %dot_general3A_5 = tpu.matmul %get3A_1, %get3A_4, %dot_general3A {dimension_numbers = #tpu.dot_dimension_numbers<[1], [1], [0], [0], [0, 0, 1, 0], [], []>, transpose_lhs_hint = false} : vector<2048x768xf32>, vector<16x768xf32>, vector<2048x16xf32> -> vector<2048x16xf32>
    %reduce_max3A = arith.constant dense<0xFF800000> : vector<2048xf32>
    %reduce_max3A_6 = vector.multi_reduction <maximumf>, %dot_general3A_5, %reduce_max3A [1] : vector<2048x16xf32> to vector<2048xf32>
    %broadcast_in_dim3A = vector.shape_cast %reduce_max3A_6 : vector<2048xf32> to vector<2048x1xf32>
    %sub3A = vector.broadcast %broadcast_in_dim3A : vector<2048x1xf32> to vector<2048x16xf32>
    %sub3A_7 = arith.subf %dot_general3A_5, %sub3A : vector<2048x16xf32>
    %exp3A = math.exp %sub3A_7 : vector<2048x16xf32>
    %reduce_sum3A = arith.constant dense<0.000000e+00> : vector<2048xf32>
    %reduce_sum3A_8 = vector.multi_reduction <add>, %exp3A, %reduce_sum3A [1] : vector<2048x16xf32> to vector<2048xf32>
    %broadcast_in_dim3A_9 = vector.shape_cast %reduce_sum3A_8 : vector<2048xf32> to vector<2048x1xf32>
    %div3A = arith.constant 1.000000e+00 : f32
    %div3A_10 = vector.broadcast %div3A : f32 to vector<2048x1xf32>
    %div3A_11 = arith.divf %div3A_10, %broadcast_in_dim3A_9 : vector<2048x1xf32>
    %broadcast_in_dim3A_12 = vector.shape_cast %div3A_11 : vector<2048x1xf32> to vector<2048x1xf32>
    %broadcast_in_dim3A_13 = vector.broadcast %broadcast_in_dim3A_12 : vector<2048x1xf32> to vector<2048x128xf32>
    %swap3A = arith.constant 0 : index
    %swap3A_14 = arith.constant 0 : index
    %swap3A_15 = vector.load %arg3[%swap3A, %swap3A_14] : memref<2048x128xf32, #tpu.memory_space<vmem>>, vector<2048x128xf32>
    tpu.vector_store %arg3[%swap3A, %swap3A_14], %broadcast_in_dim3A_13 {strides = array<i32>} : memref<2048x128xf32, #tpu.memory_space<vmem>>, vector<2048x128xf32>,
    %iota3A = tpu.iota {dimensions = array<i32: 1>} : vector<2048x16xi32>
    %eq3A = vector.broadcast %broadcast_in_dim3A : vector<2048x1xf32> to vector<2048x16xf32>
    %eq3A_16 = arith.cmpf oeq, %dot_general3A_5, %eq3A : vector<2048x16xf32>
    %jit3A = arith.constant 16 : i32
    %broadcast_in_dim3A_17 = vector.broadcast %jit3A : i32 to vector<2048x16xi32>
    %select_n3A = arith.select %eq3A_16, %iota3A, %broadcast_in_dim3A_17 : vector<2048x16xi1>, vector<2048x16xi32>
    %reduce_min3A = arith.constant dense<2147483647> : vector<2048xi32>
    %reduce_min3A_18 = vector.multi_reduction <minsi>, %select_n3A, %reduce_min3A [1] : vector<2048x16xi32> to vector<2048xi32>
    %broadcast_in_dim3A_19 = vector.shape_cast %reduce_min3A_18 : vector<2048xi32> to vector<2048x1xi32>
    %eq3A_20 = vector.broadcast %broadcast_in_dim3A_19 : vector<2048x1xi32> to vector<2048x16xi32>
    %eq3A_21 = arith.cmpi eq, %iota3A, %eq3A_20 : vector<2048x16xi32>
    %convert_element_type3A = arith.extui %eq3A_21 : vector<2048x16xi1> to vector<2048x16xi32>
    %convert_element_type3A_22 = arith.sitofp %convert_element_type3A : vector<2048x16xi32> to vector<2048x16xf32>
    %swap3A_23 = arith.constant 0 : index
    %swap3A_24 = arith.constant 0 : index
    %swap3A_25 = vector.load %arg6[%swap3A_23, %swap3A_24] : memref<2048x16xf32, #tpu.memory_space<vmem>>, vector<2048x16xf32>
    tpu.vector_store %arg6[%swap3A_23, %swap3A_24], %convert_element_type3A_22 {strides = array<i32>} : memref<2048x16xf32, #tpu.memory_space<vmem>>, vector<2048x16xf32>,
    %reduce_sum3A_26 = arith.constant dense<0.000000e+00> : vector<16xf32>
    %reduce_sum3A_27 = vector.multi_reduction <add>, %convert_element_type3A_22, %reduce_sum3A_26 [0] : vector<2048x16xf32> to vector<16xf32>
    %broadcast_in_dim3A_28 = vector.shape_cast %reduce_sum3A_27 : vector<16xf32> to vector<1x16xf32>
    %convert_element_type3A_29 = arith.fptosi %broadcast_in_dim3A_28 : vector<1x16xf32> to vector<1x16xi32>
    %add3A = arith.constant 127 : i32
    %add3A_30 = vector.broadcast %add3A : i32 to vector<1x16xi32>
    %add3A_31 = arith.addi %convert_element_type3A_29, %add3A_30 : vector<1x16xi32>
    %jit3A_32 = arith.constant 128 : i32
    %div3A_33 = vector.broadcast %jit3A_32 : i32 to vector<1x16xi32>
    %div3A_34 = arith.divsi %add3A_31, %div3A_33 : vector<1x16xi32>
    %sign3A = arith.constant 0 : i32
    %sign3A_35 = vector.broadcast %sign3A : i32 to vector<1x16xi32>
    %sign3A_36 = arith.cmpi sgt, %add3A_31, %sign3A_35 : vector<1x16xi32>
    %sign3A_37 = arith.extui %sign3A_36 : vector<1x16xi1> to vector<1x16xi32>
    %sign3A_38 = arith.constant 0 : i32
    %sign3A_39 = vector.broadcast %sign3A_38 : i32 to vector<1x16xi32>
    %sign3A_40 = arith.cmpi slt, %add3A_31, %sign3A_39 : vector<1x16xi32>
    %sign3A_41 = arith.extui %sign3A_40 : vector<1x16xi1> to vector<1x16xi32>
    %sign3A_42 = arith.subi %sign3A_37, %sign3A_41 : vector<1x16xi32>
    %sign3A_43 = arith.constant 0 : i32
    %sign3A_44 = arith.cmpi sgt, %jit3A_32, %sign3A_43 : i32
    %sign3A_45 = arith.extui %sign3A_44 : i1 to i32
    %sign3A_46 = arith.constant 0 : i32
    %sign3A_47 = arith.cmpi slt, %jit3A_32, %sign3A_46 : i32
    %sign3A_48 = arith.extui %sign3A_47 : i1 to i32
    %sign3A_49 = arith.subi %sign3A_45, %sign3A_48 : i32
    %ne3A = vector.broadcast %sign3A_49 : i32 to vector<1x16xi32>
    %ne3A_50 = arith.cmpi ne, %sign3A_42, %ne3A : vector<1x16xi32>
    %rem3A = vector.broadcast %jit3A_32 : i32 to vector<1x16xi32>
    %rem3A_51 = arith.remsi %add3A_31, %rem3A : vector<1x16xi32>
    %ne3A_52 = arith.constant 0 : i32
    %ne3A_53 = vector.broadcast %ne3A_52 : i32 to vector<1x16xi32>
    %ne3A_54 = arith.cmpi ne, %rem3A_51, %ne3A_53 : vector<1x16xi32>
    %and3A = arith.andi %ne3A_50, %ne3A_54 : vector<1x16xi1>
    %sub3A_55 = arith.constant 1 : i32
    %sub3A_56 = vector.broadcast %sub3A_55 : i32 to vector<1x16xi32>
    %sub3A_57 = arith.subi %div3A_34, %sub3A_56 : vector<1x16xi32>
    %select_n3A_58 = arith.select %and3A, %sub3A_57, %div3A_34 : vector<1x16xi1>, vector<1x16xi32>
    %mul3A = arith.constant 128 : i32
    %mul3A_59 = vector.broadcast %mul3A : i32 to vector<1x16xi32>
    %mul3A_60 = arith.muli %select_n3A_58, %mul3A_59 : vector<1x16xi32>
    %convert_element_type3A_61 = arith.sitofp %mul3A_60 : vector<1x16xi32> to vector<1x16xf32>
    %iota3A_62 = tpu.iota {dimensions = array<i32: 0>} : vector<16x16xi32>
    %iota3A_63 = tpu.iota {dimensions = array<i32: 1>} : vector<16x16xi32>
    %lt3A = arith.cmpi slt, %iota3A_62, %iota3A_63 : vector<16x16xi32>
    %convert_element_type3A_64 = arith.extui %lt3A : vector<16x16xi1> to vector<16x16xi32>
    %convert_element_type3A_65 = arith.sitofp %convert_element_type3A_64 : vector<16x16xi32> to vector<16x16xf32>
    %dot_general3A_66 = arith.constant dense<0.000000e+00> : vector<1x16xf32>
    %dot_general3A_67 = tpu.matmul %convert_element_type3A_61, %convert_element_type3A_65, %dot_general3A_66 {dimension_numbers = #tpu.dot_dimension_numbers<[1], [0], [0], [1], [0, 0, 1, 1], [], []>, transpose_lhs_hint = false} : vector<1x16xf32>, vector<16x16xf32>, vector<1x16xf32> -> vector<1x16xf32>
    %iota3A_68 = tpu.iota {dimensions = array<i32: 0>} : vector<32x16xi32>
    %convert_element_type3A_69 = arith.sitofp %iota3A_68 : vector<32x16xi32> to vector<32x16xf32>
    %mul3A_70 = arith.constant 1.280000e+02 : f32
    %mul3A_71 = vector.broadcast %mul3A_70 : f32 to vector<32x16xf32>
    %mul3A_72 = arith.mulf %convert_element_type3A_69, %mul3A_71 : vector<32x16xf32>
    %iota3A_73 = tpu.iota {dimensions = array<i32: 1>} : vector<32x16xi32>
    %convert_element_type3A_74 = arith.sitofp %iota3A_73 : vector<32x16xi32> to vector<32x16xf32>
    %ge3A = vector.broadcast %dot_general3A_67 : vector<1x16xf32> to vector<32x16xf32>
    %ge3A_75 = arith.cmpf oge, %mul3A_72, %ge3A : vector<32x16xf32>
    %add3A_76 = arith.addf %dot_general3A_67, %convert_element_type3A_61 : vector<1x16xf32>
    %lt3A_77 = vector.broadcast %add3A_76 : vector<1x16xf32> to vector<32x16xf32>
    %lt3A_78 = arith.cmpf olt, %mul3A_72, %lt3A_77 : vector<32x16xf32>
    %and3A_79 = arith.andi %ge3A_75, %lt3A_78 : vector<32x16xi1>
    %jit3A_80 = arith.constant 0.000000e+00 : f32
    %broadcast_in_dim3A_81 = vector.broadcast %jit3A_80 : f32 to vector<32x16xf32>
    %select_n3A_82 = arith.select %and3A_79, %convert_element_type3A_74, %broadcast_in_dim3A_81 : vector<32x16xi1>, vector<32x16xf32>
    %reduce_sum3A_83 = arith.constant dense<0.000000e+00> : vector<32xf32>
    %reduce_sum3A_84 = vector.multi_reduction <add>, %select_n3A_82, %reduce_sum3A_83 [1] : vector<32x16xf32> to vector<32xf32>
    %broadcast_in_dim3A_85 = vector.shape_cast %reduce_sum3A_84 : vector<32xf32> to vector<32x1xf32>
    %convert_element_type3A_86 = arith.fptosi %broadcast_in_dim3A_85 : vector<32x1xf32> to vector<32x1xi32>
    %swap3A_87 = arith.constant 0 : index
    %swap3A_88 = arith.constant 0 : index
    %swap3A_89 = vector.load %arg4[%swap3A_87, %swap3A_88] : memref<32x1xi32, #tpu.memory_space<vmem>>, vector<32x1xi32>
    tpu.vector_store %arg4[%swap3A_87, %swap3A_88], %convert_element_type3A_86 {strides = array<i32>} : memref<32x1xi32, #tpu.memory_space<vmem>>, vector<32x1xi32>,
    %reduce_sum3A_90 = vector.shape_cast %mul3A_60 : vector<1x16xi32> to vector<1x1x16xi32>
    %reduce_sum3A_91 = arith.constant dense<0> : vector<1xi32>
    %reduce_sum3A_92 = vector.multi_reduction <add>, %reduce_sum3A_90, %reduce_sum3A_91 [1, 2] : vector<1x1x16xi32> to vector<1xi32>
    %reduce_sum3A_93 = vector.shape_cast %reduce_sum3A_92 : vector<1xi32> to vector<1x1x1xi32>
    %reduce_sum3A_94 = vector.extract %reduce_sum3A_93[0, 0, 0] : i32 from vector<1x1x1xi32>
    %jit3A_95 = arith.constant 128 : i32
    %div3A_96 = arith.divsi %reduce_sum3A_94, %jit3A_95 : i32
    %sign3A_97 = arith.constant 0 : i32
    %sign3A_98 = arith.cmpi sgt, %reduce_sum3A_94, %sign3A_97 : i32
    %sign3A_99 = arith.extui %sign3A_98 : i1 to i32
    %sign3A_100 = arith.constant 0 : i32
    %sign3A_101 = arith.cmpi slt, %reduce_sum3A_94, %sign3A_100 : i32
    %sign3A_102 = arith.extui %sign3A_101 : i1 to i32
    %sign3A_103 = arith.subi %sign3A_99, %sign3A_102 : i32
    %sign3A_104 = arith.constant 0 : i32
    %sign3A_105 = arith.cmpi sgt, %jit3A_95, %sign3A_104 : i32
    %sign3A_106 = arith.extui %sign3A_105 : i1 to i32
    %sign3A_107 = arith.constant 0 : i32
    %sign3A_108 = arith.cmpi slt, %jit3A_95, %sign3A_107 : i32
    %sign3A_109 = arith.extui %sign3A_108 : i1 to i32
    %sign3A_110 = arith.subi %sign3A_106, %sign3A_109 : i32
    %ne3A_111 = arith.cmpi ne, %sign3A_103, %sign3A_110 : i32
    %rem3A_112 = arith.remsi %reduce_sum3A_94, %jit3A_95 : i32
    %ne3A_113 = arith.constant 0 : i32
    %ne3A_114 = arith.cmpi ne, %rem3A_112, %ne3A_113 : i32
    %and3A_115 = arith.andi %ne3A_111, %ne3A_114 : i1
    %sub3A_116 = arith.constant 1 : i32
    %sub3A_117 = arith.subi %div3A_96, %sub3A_116 : i32
    %select_n3A_118 = arith.select %and3A_115, %sub3A_117, %div3A_96 : i32
    %iota3A_119 = tpu.iota {dimensions = array<i32: 0>} : vector<32x1xi32>
    %sub3A_120 = arith.constant 1 : i32
    %sub3A_121 = arith.subi %select_n3A_118, %sub3A_120 : i32
    %min3A = vector.broadcast %sub3A_121 : i32 to vector<32x1xi32>
    %min3A_122 = arith.minsi %iota3A_119, %min3A : vector<32x1xi32>
    %swap3A_123 = arith.constant 0 : index
    %swap3A_124 = arith.constant 0 : index
    %swap3A_125 = vector.load %arg5[%swap3A_123, %swap3A_124] : memref<32x1xi32, #tpu.memory_space<vmem>>, vector<32x1xi32>
    tpu.vector_store %arg5[%swap3A_123, %swap3A_124], %min3A_122 {strides = array<i32>} : memref<32x1xi32, #tpu.memory_space<vmem>>, vector<32x1xi32>,
    %iota3A_126 = tpu.iota {dimensions = array<i32: 0>} : vector<256x256xi32>
    %iota3A_127 = tpu.iota {dimensions = array<i32: 1>} : vector<256x256xi32>
    %lt3A_128 = arith.cmpi slt, %iota3A_127, %iota3A_126 : vector<256x256xi32>
    %convert_element_type3A_129 = arith.extui %lt3A_128 : vector<256x256xi1> to vector<256x256xi32>
    %convert_element_type3A_130 = arith.sitofp %convert_element_type3A_129 : vector<256x256xi32> to vector<256x256xf32>
    %iota3A_131 = tpu.iota {dimensions = array<i32: 1>} : vector<256x128xi32>
    %iota3A_132 = tpu.iota {dimensions = array<i32: 0>} : vector<256x128xi32>
    %jit3A_133 = arith.constant 128 : i32
    %eq3A_134 = arith.constant 0 : i32
    %eq3A_135 = arith.cmpi eq, %jit3A_133, %eq3A_134 : i32
    %jit3A_136 = arith.constant 1 : i32
    %select_n3A_137 = arith.select %eq3A_135, %jit3A_136, %jit3A_133 : i32
    %rem3A_138 = vector.broadcast %select_n3A_137 : i32 to vector<256x128xi32>
    %rem3A_139 = arith.remsi %iota3A_132, %rem3A_138 : vector<256x128xi32>
    %ne3A_140 = arith.constant 0 : i32
    %ne3A_141 = vector.broadcast %ne3A_140 : i32 to vector<256x128xi32>
    %ne3A_142 = arith.cmpi ne, %rem3A_139, %ne3A_141 : vector<256x128xi32>
    %lt3A_143 = arith.constant 0 : i32
    %lt3A_144 = vector.broadcast %lt3A_143 : i32 to vector<256x128xi32>
    %lt3A_145 = arith.cmpi slt, %rem3A_139, %lt3A_144 : vector<256x128xi32>
    %lt3A_146 = arith.constant 0 : i32
    %lt3A_147 = arith.cmpi slt, %select_n3A_137, %lt3A_146 : i32
    %ne3A_148 = vector.broadcast %lt3A_147 : i1 to vector<256x128xi1>
    %ne3A_149 = vector.broadcast %ne3A_148 : vector<256x128xi1> to vector<256x128xi1>
    %ne3A_150 = arith.xori %lt3A_145, %ne3A_149 : vector<256x128xi1>
    %and3A_151 = arith.andi %ne3A_150, %ne3A_142 : vector<256x128xi1>
    %add3A_152 = vector.broadcast %select_n3A_137 : i32 to vector<256x128xi32>
    %add3A_153 = arith.addi %rem3A_139, %add3A_152 : vector<256x128xi32>
    %select_n3A_154 = arith.select %and3A_151, %add3A_153, %rem3A_139 : vector<256x128xi1>, vector<256x128xi32>
    %eq3A_155 = arith.cmpi eq, %iota3A_131, %select_n3A_154 : vector<256x128xi32>
    %convert_element_type3A_156 = arith.extui %eq3A_155 : vector<256x128xi1> to vector<256x128xi32>
    %convert_element_type3A_157 = arith.sitofp %convert_element_type3A_156 : vector<256x128xi32> to vector<256x128xf32>
    %iota3A_158 = tpu.iota {dimensions = array<i32: 1>} : vector<2x256xi32>
    %jit3A_159 = arith.constant 128 : i32
    %div3A_160 = vector.broadcast %jit3A_159 : i32 to vector<2x256xi32>
    %div3A_161 = arith.divsi %iota3A_158, %div3A_160 : vector<2x256xi32>
    %sign3A_162 = arith.constant 0 : i32
    %sign3A_163 = vector.broadcast %sign3A_162 : i32 to vector<2x256xi32>
    %sign3A_164 = arith.cmpi sgt, %iota3A_158, %sign3A_163 : vector<2x256xi32>
    %sign3A_165 = arith.extui %sign3A_164 : vector<2x256xi1> to vector<2x256xi32>
    %sign3A_166 = arith.constant 0 : i32
    %sign3A_167 = vector.broadcast %sign3A_166 : i32 to vector<2x256xi32>
    %sign3A_168 = arith.cmpi slt, %iota3A_158, %sign3A_167 : vector<2x256xi32>
    %sign3A_169 = arith.extui %sign3A_168 : vector<2x256xi1> to vector<2x256xi32>
    %sign3A_170 = arith.subi %sign3A_165, %sign3A_169 : vector<2x256xi32>
    %sign3A_171 = arith.constant 0 : i32
    %sign3A_172 = arith.cmpi sgt, %jit3A_159, %sign3A_171 : i32
    %sign3A_173 = arith.extui %sign3A_172 : i1 to i32
    %sign3A_174 = arith.constant 0 : i32
    %sign3A_175 = arith.cmpi slt, %jit3A_159, %sign3A_174 : i32
    %sign3A_176 = arith.extui %sign3A_175 : i1 to i32
    %sign3A_177 = arith.subi %sign3A_173, %sign3A_176 : i32
    %ne3A_178 = vector.broadcast %sign3A_177 : i32 to vector<2x256xi32>
    %ne3A_179 = arith.cmpi ne, %sign3A_170, %ne3A_178 : vector<2x256xi32>
    %rem3A_180 = vector.broadcast %jit3A_159 : i32 to vector<2x256xi32>
    %rem3A_181 = arith.remsi %iota3A_158, %rem3A_180 : vector<2x256xi32>
    %ne3A_182 = arith.constant 0 : i32
    %ne3A_183 = vector.broadcast %ne3A_182 : i32 to vector<2x256xi32>
    %ne3A_184 = arith.cmpi ne, %rem3A_181, %ne3A_183 : vector<2x256xi32>
    %and3A_185 = arith.andi %ne3A_179, %ne3A_184 : vector<2x256xi1>
    %sub3A_186 = arith.constant 1 : i32
    %sub3A_187 = vector.broadcast %sub3A_186 : i32 to vector<2x256xi32>
    %sub3A_188 = arith.subi %div3A_161, %sub3A_187 : vector<2x256xi32>
    %select_n3A_189 = arith.select %and3A_185, %sub3A_188, %div3A_161 : vector<2x256xi1>, vector<2x256xi32>
    %iota3A_190 = tpu.iota {dimensions = array<i32: 0>} : vector<2x256xi32>
    %eq3A_191 = arith.cmpi eq, %select_n3A_189, %iota3A_190 : vector<2x256xi32>
    %convert_element_type3A_192 = arith.extui %eq3A_191 : vector<2x256xi1> to vector<2x256xi32>
    %convert_element_type3A_193 = arith.sitofp %convert_element_type3A_192 : vector<2x256xi32> to vector<2x256xf32>
    %broadcast_in_dim3A_194 = arith.constant 0.000000e+00 : f32
    %broadcast_in_dim3A_195 = vector.broadcast %broadcast_in_dim3A_194 : f32 to vector<1x16xf32>
    %scan3A = arith.constant 0 : i32
    %scan3A_196 = arith.constant 8 : i32
    %scan3A_197 = arith.addi %scan3A, %scan3A_196 : i32
    %scan3A_198 = arith.constant 1 : i32
    %scan3A_199 = scf.for %scan3A_201 = %scan3A to %scan3A_197 step %scan3A_198 iter_args(%scan3A_202 = %broadcast_in_dim3A_195) -> (vector<1x16xf32>)  : i32 {
      %mul3A_203 = arith.constant 256 : i32
      %mul3A_204 = arith.muli %scan3A_201, %mul3A_203 : i32
      %get3A_205 = arith.index_cast %mul3A_204 : i32 to index
      %get3A_206 = arith.constant 0 : index
      %get3A_207 = vector.load %arg6[%get3A_205, %get3A_206] : memref<2048x16xf32, #tpu.memory_space<vmem>>, vector<256x16xf32>
      %dot_general3A_208 = arith.constant dense<0.000000e+00> : vector<256x16xf32>
      %dot_general3A_209 = tpu.matmul %convert_element_type3A_130, %get3A_207, %dot_general3A_208 {dimension_numbers = #tpu.dot_dimension_numbers<[1], [0], [0], [1], [0, 0, 1, 1], [], []>, transpose_lhs_hint = false} : vector<256x256xf32>, vector<256x16xf32>, vector<256x16xf32> -> vector<256x16xf32>
      %add3A_210 = vector.broadcast %scan3A_202 : vector<1x16xf32> to vector<256x16xf32>
      %add3A_211 = arith.addf %dot_general3A_209, %add3A_210 : vector<256x16xf32>
      %add3A_212 = vector.broadcast %dot_general3A_67 : vector<1x16xf32> to vector<256x16xf32>
      %add3A_213 = arith.addf %add3A_211, %add3A_212 : vector<256x16xf32>
      %mul3A_214 = arith.mulf %get3A_207, %add3A_213 : vector<256x16xf32>
      %reduce_sum3A_215 = arith.constant dense<0.000000e+00> : vector<256xf32>
      %reduce_sum3A_216 = vector.multi_reduction <add>, %mul3A_214, %reduce_sum3A_215 [1] : vector<256x16xf32> to vector<256xf32>
      %broadcast_in_dim3A_217 = vector.shape_cast %reduce_sum3A_216 : vector<256xf32> to vector<256x1xf32>
      %broadcast_in_dim3A_218 = vector.shape_cast %broadcast_in_dim3A_217 : vector<256x1xf32> to vector<256x1xf32>
      %broadcast_in_dim3A_219 = vector.broadcast %broadcast_in_dim3A_218 : vector<256x1xf32> to vector<256x128xf32>
      %mul3A_220 = arith.mulf %broadcast_in_dim3A_219, %convert_element_type3A_157 : vector<256x128xf32>
      %dot_general3A_221 = arith.constant dense<0.000000e+00> : vector<2x128xf32>
      %dot_general3A_222 = tpu.matmul %convert_element_type3A_193, %mul3A_220, %dot_general3A_221 {dimension_numbers = #tpu.dot_dimension_numbers<[1], [0], [0], [1], [0, 0, 1, 1], [], []>, precision = #tpu.contract_precision<fp32>, transpose_lhs_hint = false} : vector<2x256xf32>, vector<256x128xf32>, vector<2x128xf32> -> vector<2x128xf32>
      %convert_element_type3A_223 = arith.fptosi %dot_general3A_222 : vector<2x128xf32> to vector<2x128xi32>
      %mul3A_224 = arith.constant 2 : i32
      %mul3A_225 = arith.muli %scan3A_201, %mul3A_224 : i32
      %swap3A_226 = arith.index_cast %mul3A_225 : i32 to index
      %swap3A_227 = arith.constant 0 : index
      %swap3A_228 = vector.load %arg2[%swap3A_226, %swap3A_227] : memref<16x128xi32, #tpu.memory_space<vmem>>, vector<2x128xi32>
      tpu.vector_store %arg2[%swap3A_226, %swap3A_227], %convert_element_type3A_223 {strides = array<i32>} : memref<16x128xi32, #tpu.memory_space<vmem>>, vector<2x128xi32>,
      %reduce_sum3A_229 = arith.constant dense<0.000000e+00> : vector<16xf32>
      %reduce_sum3A_230 = vector.multi_reduction <add>, %get3A_207, %reduce_sum3A_229 [0] : vector<256x16xf32> to vector<16xf32>
      %broadcast_in_dim3A_231 = vector.shape_cast %reduce_sum3A_230 : vector<16xf32> to vector<1x16xf32>
      %add3A_232 = arith.addf %scan3A_202, %broadcast_in_dim3A_231 : vector<1x16xf32>
      scf.yield %add3A_232 : vector<1x16xf32>
    }
    %scan3A_200 = arith.constant 8 : i32
    return
  }
}

</mosaic_0001>

<sc_bundles>
// kernel: kernel.6.cloned.1.call-start
scs
__scs_entry_jumppad:
0x0: {  	(pc) =	sbr.rel $0x88, $3  }
0x1: {  	(tag) =	ssettag $0x0;
	lr =	simm.s32 $0x1  }
0x2: {  	[smem:$0x3F9D] =	sst lr;
	_ =	strace $0xD0000000  }
0x3: {  	_ = 	snop  }
0x4: {  	_ = 	snop  }
0x5: {  	_ = 	snop  }
0x6: {  	_ = 	snop  }
0x7: {  	_ = 	snop  }
__scs_overlays_trampoline_lowered:
0x8: {  	[smem:$0x3FAC] =	sst s0  }
0x9: {  	[smem:$0x3FAD] =	sst s1  }
0xa: {  	[smem:$0x3FAE] =	sst s2  }
0xb: {  	[smem:$0x3FAF] =	sst s3  }
0xc: {  	[smem:$0x3FB0] =	sst s4  }
0xd: {  	[smem:$0x3FB1] =	sst s5  }
0xe: {  	[smem:$0x3FB2] =	sst s6  }
0xf: {  	[smem:$0x3FB3] =	sst s7  }
0x10: {  	[smem:$0x3FB4] =	sst s8  }
0x11: {  	[smem:$0x3FB5] =	sst s9;
	s0 =	simm.s32 @!p0 $0x0  }
0x12: {  	s1 =	sld [smem:$0x3F9B];
	s0 =	simm.s32 @p0 $0x1  }
0x13: {  	[smem:$0x3FB6] =	sst s0;
	s0 =	simm.s32 @!p1 $0x0  }
0x14: {  	s2 =	sld [smem:$0x3F9A];
	s0 =	simm.s32 @p1 $0x1  }
0x15: {  	[smem:$0x3FB7] =	sst s0;
	s0 =	simm.s32 @!p2 $0x0  }
0x16: {  	s3 =	sld [smem:$0x3FDB];
	s0 =	simm.s32 @p2 $0x1  }
0x17: {  	s4 =	simm.s32 $0x1BF5;
	[smem:$0x3FB9] =	sst s0  }
0x18: {  	s0 =	sld [smem:$0x3F9C];
	_ =	swait.ge [sflag:s4], $0x0  }
0x19: {  	s7 =	sld [smem:$0x3F9D]  }
0x1a: {  	s8 =	sadd.s32 $0xFFFFE003, lr  }
0x1b: {  	s9 =	sadd.s32 $0xFFFFFEF7, lr;
	s5 =	simm.s32 $0xFFFFFFFF;
	p2 =	slt.u32 s8, $0xFFFFF086  }
0x1c: {  	p1 =	slt.u32 s9, $0xF7A;
	s5 =	simm.s32 @!p2 $0x0  }
0x1d: {  	s5 =	simm.s32 @p1 $0x1;
	p0 =	seq.s32 s7, s2  }
0x1e: {  	s7 =	smul.u32 @!p0 $0xF7A, s2;
	p2 =	seq.s32 @!p0 s5, $0x0  }
0x1f: {  	s9 =	smul.u32 $0xF7A, s1;
	s8 =	simm.s32 @!p0 $0x1BF5;
	p2 =	por !p2, p0  }
0x20: {  	[sflag:s8] =	ssyncset.s32 @!p0 $0xFFFFF086;
	s6 =	sadd.s32 @!p0 s3, s7;
	s7 =	simm.s32 @!p0 $0x108  }
0x21: {  	s3 =	sadd.s32 s3, s9;
	s6 =	sadd.s32 @!p0 $0x88, s6;
	s7 =	simm.s32 @p2 $0x1082  }
0x22: {  	[simem:s7], [sflag:s8] =	dma.local @!p0 [hbm:s6], $0xF7A  }
0x23: {  	s9 =	sor.u32 $0xD0000000, s2;
	s6 =	simm.s32 $0x108;
	_ =	swait.ge @!p0 [sflag:s8], $0x0  }
0x24: {  	s3 =	sadd.s32 $0x88, s3;
	s6 =	simm.s32 @!p1 $0x1082;
	[sflag:s4] =	ssyncset.s32 $0xFFFFF086  }
0x25: {  	[simem:s6], [sflag:s4] =	dma.local [hbm:s3], $0xF7A  }
0x26: {  	[smem:$0x3F9D] =	sst s1;
	(tag) =	ssettag s2;
	_ =	strace s9  }
0x27: {  	s1 =	sld [smem:$0x3FAD]  }
0x28: {  	s2 =	sld [smem:$0x3FAE]  }
0x29: {  	s4 =	sld [smem:$0x3FB0]  }
0x2a: {  	p0 =	seq.s32 s5, $0x0;
	s5 =	sld [smem:$0x3FB1]  }
0x2b: {  	s6 =	sld [smem:$0x3FB2]  }
0x2c: {  	s7 =	sld [smem:$0x3FB3]  }
0x2d: {  	s3 =	simm.s32 $0x108;
	s8 =	sld [smem:$0x3FB4]  }
0x2e: {  	s3 =	simm.s32 @!p0 $0x1082;
	s9 =	sld [smem:$0x3FB5]  }
0x2f: {  	lr =	sadd.s32 s0, s3;
	s0 =	sld [smem:$0x3FAC]  }
0x30: {  	s3 =	sld [smem:$0x3FAF]  }
0x31: {  	[smem:$0x3FB8] =	sst s10  }
0x32: {  	s10 =	sld [smem:$0x3FB6];
	_ =	sdelay $0x3  }
0x33: {  	p0 =	seq.s32 s10, $0x1;
	s10 =	sld [smem:$0x3FB8];
	_ =	sdelay $0x3  }
0x34: {  	[smem:$0x3FB8] =	sst s10  }
0x35: {  	s10 =	sld [smem:$0x3FB7];
	_ =	sdelay $0x3  }
0x36: {  	p1 =	seq.s32 s10, $0x1;
	s10 =	sld [smem:$0x3FB8];
	_ =	sdelay $0x3  }
0x37: {  	[smem:$0x3FB8] =	sst s10  }
0x38: {  	s10 =	sld [smem:$0x3FB9]  }
0x39: {  	_ = 	snop;
	(pc) =	sbr.ind lr, $3  }
0x3a: {  	_ = 	snop  }
0x3b: {  	_ = 	snop  }
0x3c: {  	p2 =	seq.s32 s10, $0x1;
	s10 =	sld [smem:$0x3FB8]  }
0x3d: {  	_ =	shalt  }
0x3e: {  	_ =	shalt  }
0x3f: {  	_ =	shalt  }
0x40: {  	_ =	shalt  }
0x41: {  	_ =	shalt  }
0x42: {  	_ =	shalt  }
0x43: {  	_ =	shalt  }
0x44: {  	_ =	shalt  }
0x45: {  	_ =	shalt  }
0x46: {  	_ =	shalt  }
0x47: {  	_ =	shalt  }
0x48: {  	_ =	shalt  }
0x49: {  	_ =	shalt  }
0x4a: {  	_ =	shalt  }
0x4b: {  	_ =	shalt  }
0x4c: {  	_ =	shalt  }
0x4d: {  	_ =	shalt  }
0x4e: {  	_ =	shalt  }
0x4f: {  	_ =	shalt  }
0x50: {  	_ =	shalt  }
0x51: {  	_ =	shalt  }
0x52: {  	_ =	shalt  }
0x53: {  	_ =	shalt  }
0x54: {  	_ =	shalt  }
0x55: {  	_ =	shalt  }
0x56: {  	_ =	shalt  }
0x57: {  	_ =	shalt  }
0x58: {  	_ =	shalt  }
0x59: {  	_ =	shalt  }
0x5a: {  	_ =	shalt  }
0x5b: {  	_ =	shalt  }
0x5c: {  	_ =	shalt  }
0x5d: {  	_ =	shalt  }
0x5e: {  	_ =	shalt  }
0x5f: {  	_ =	shalt  }
0x60: {  	_ =	shalt  }
0x61: {  	_ =	shalt  }
0x62: {  	_ =	shalt  }
0x63: {  	_ =	shalt  }
0x64: {  	_ =	shalt  }
0x65: {  	_ =	shalt  }
0x66: {  	_ =	shalt  }
0x67: {  	_ =	shalt  }
0x68: {  	_ =	shalt  }
0x69: {  	_ =	shalt  }
0x6a: {  	_ =	shalt  }
0x6b: {  	_ =	shalt  }
0x6c: {  	_ =	shalt  }
0x6d: {  	_ =	shalt  }
0x6e: {  	_ =	shalt  }
0x6f: {  	_ =	shalt  }
0x70: {  	_ =	shalt  }
0x71: {  	_ =	shalt  }
0x72: {  	_ =	shalt  }
0x73: {  	_ =	shalt  }
0x74: {  	_ =	shalt  }
0x75: {  	_ =	shalt  }
0x76: {  	_ =	shalt  }
0x77: {  	_ =	shalt  }
0x78: {  	_ =	shalt  }
0x79: {  	_ =	shalt  }
0x7a: {  	_ =	shalt  }
0x7b: {  	_ =	shalt  }
0x7c: {  	_ =	shalt  }
0x7d: {  	_ =	shalt  }
0x7e: {  	_ =	shalt  }
0x7f: {  	_ =	shalt  }
0x80: {  	_ =	shalt  }
0x81: {  	_ =	shalt  }
0x82: {  	_ =	shalt  }
0x83: {  	_ =	shalt  }
0x84: {  	_ =	shalt  }
0x85: {  	_ =	shalt  }
0x86: {  	_ =	shalt  }
0x87: {  	_ =	shalt  }
.Lfunc_end0:
.L_simem_size_0:
called_computation_lowered:
.L_overlay_start_0:
0x88: {  	s2 =	sld [smem:$0x3FD9]  }
0x89: {  	s3 =	sld [smem:$0x3FFE];
	_ =	sdelay $0x1  }
0x8a: {  	s1 =	srdreg.scid  }
0x8b: {  	s0 =	sand.u32 $0x1, s1  }
0x8c: {  	s17 =	sshll.u32 s0, $0xA;
	s2 =	sadd.s32 s3, s2  }
0x8d: {  	s2 =	sadd.s32 s2, s17  }
0x8e: {  	[smem:$0x3FC4] =	sst s2  }
0x8f: {  	_ = 	snop  }
0x90: {  	s2 =	sld [smem:$0x3FC9]  }
0x91: {  	s18 =	sld [smem:$0x3FD0];
	(tm) =	ssettm $0x1  }
0x92: {  	s4 =	sld [smem:$0x3FFB];
	_ =	sdelay $0x3  }
0x93: {  	_ =	strace s4  }
0x94: {  	s4 =	sld [smem:$0x3FFC];
	_ =	sdelay $0x3  }
0x95: {  	_ =	strace s4  }
0x96: {  	s4 =	sld [smem:$0x3FFD];
	_ =	sdelay $0x3  }
0x97: {  	_ =	strace s4  }
0x98: {  	_ =	strace $0x8FFFFFFF  }
0x99: {  	s19 =	sld [smem:$0x3FDB];
	_ =	sdelay $0x1  }
0x9a: {  	s5 =	simm.s32 $_scs_section_size  }
0x9b: {  	s6 =	simm.s32 $_size__tile_overlayer_lowered;
	s7 =	simm.s32 $_tile_overlayer_lowered  }
0x9c: {  	s22 =	simm.s32 $0x1BFF;
	s21 =	sshll.u32 s7, $0x1;
	s4 =	sadd.s32 s5, s19  }
0x9d: {  	s8 =	simm.s32 $0x0;
	s20 =	sshll.u32 s6, $0x1;
	s6 =	sadd.s32 s21, s4  }
0x9e: {  	[timem:s8], [sflag:s22] =	dma.local [hbm:s6], s20  }
0x9f: {  	_ =	swait.ge [sflag:s22], s20  }
0xa0: {  	s5 =	ssub.s32 $0x0, s20;
	[sflag:s22] =	ssyncset.done $0x0  }
0xa1: {  	[sflag:s22] =	ssyncadd.s32 s5;
	_ =	sdelay $0x1  }
0xa2: {  	s23 =	simm.s32 $0x1B8B  }
0xa3: {  	_ =	swait.ge [sflag:s23], $0x1  }
0xa4: {  	[sflag:s23] =	ssyncset.done $0x0  }
0xa5: {  	s25 =	simm.s32 $0x1B8E;
	s24 =	sld [smem:$0x3FFE];
	[sflag:s23] =	ssyncadd.s32 $0xFFFFFFFF  }
0xa6: {  	s26 =	simm.s32 $execute0_lowered;
	[smem:$0x3FD2] =	sst s25  }
0xa7: {  	s6 =	sshll.u32 s26, $0x1;
	_ =	strace $0x80000046;
	[dreg:$0x1] =	wrdreg $0xFFFFFFFF  }
0xa8: {  	s28 =	simm.s32 $_size_execute0_lowered;
	s4 =	sadd.s32 s4, s6;
	[dreg:$0x0] =	wrdreg $0x0  }
0xa9: {  	s6 =	sshll.u32 s28, $0x1;
	[dreg:$0x2] =	wrdreg s4  }
0xaa: {  	[dreg:$0x3] =	wrdreg s6  }
0xab: {  	[dreg:$0x4] =	wrdreg $0xC0  }
0xac: {  	_ =	task [dreg:s8], $0x5FFFF  }
0xad: {  	[dreg:$0x1] =	wrdreg $0xFFFFFFFF  }
0xae: {  	[dreg:$0x0] =	wrdreg $0x60  }
0xaf: {  	[dreg:$0x2] =	wrdreg s2  }
0xb0: {  	[dreg:$0x3] =	wrdreg s24  }
0xb1: {  	[dreg:$0x4] =	wrdreg s18  }
0xb2: {  	[dreg:$0x5] =	wrdreg $0x9  }
0xb3: {  	_ =	task.clear_ibuf [dreg:s8], $0x6FFFF;
	_ =	strace $0x90000046  }
0xb4: {  	s29 =	simm.s32 $0x9;
	_ =	strace $0x80000048  }
0xb5: {  	_ =	swait.ge [sflag:s29], $0x1  }
0xb6: {  	[sflag:s29] =	ssyncadd.s32 $0xFFFFFFFF  }
0xb7: {  	_ =	strace $0x90000048  }
0xb8: {  	_ =	sfence  }
0xb9: {  	s30 =	sld [smem:$0x0];
	_ =	sdelay $0x2  }
0xba: {  	s31 =	sshll.u32 s1, $0xD;
	s1 =	sshrl.u32 s1, $0x2  }
0xbb: {  	s3 =	sand.u32 $0x4000, s31;
	s1 =	sadd.s32 s1, s30  }
0xbc: {  	s0 =	sor.u32 s3, s0;
	s1 =	sshll.u32 s1, $0x11  }
0xbd: {  	s0 =	sor.u32 s1, s0  }
0xbe: {  	s0 =	sadd.s32 $0x8F2B, s0  }
0xbf: {  	[sflag:s0] =	ssyncadd.remote.s32 $0x1  }
0xc0: {  	_ =	sfence.sel $0xFFFF  }
0xc1: {  	[dreg:$0x0] =	wrdreg $0xFFFFFFFF;
	(pc) =	sbr.abs _section_cstart, $3  }
0xc2: {  	[dreg:$0x1] =	wrdreg $0xFFFFFFFF  }
0xc3: {  	_ =	task.clear_ibuf [dreg:s8], $0x2FFFF;
	_ =	strace $0x9FFFFFFF  }
0xc4: {  	(tm) =	ssettm $0x7FFFFFFF  }
0xc5: {  	_ =	shalt  }
tec
execute0_lowered:
.L_overlay_start_1:
0x0: {  	(tag) =	ssettag $0x1  }
0x1: {  	s0 =	rddreg [dreg:$0x0]  }
0x2: {  	s5 =	rddreg [dreg:$0x1]  }
0x3: {  	s1 =	rddreg [dreg:$0x2];
	s2 =	srdreg.scid  }
0x4: {  	s21 =	stileid.u32;
	s24 =	simm.s32 $0x880;
	s25 =	simm.s32 $0x1080  }
0x5: {  	s26 =	simm.s32 $0x1880;
	s9 =	simm.s32 $0xC080;
	s11 =	simm.s32 $0x2880  }
0x6: {  	s12 =	simm.s32 $0x3080;
	s13 =	simm.s32 $0x3880;
	s14 =	simm.s32 $0x4080  }
0x7: {  	s15 =	simm.s32 $0x4880;
	s16 =	simm.s32 $0x5080;
	s17 =	simm.s32 $0x5880  }
0x8: {  	s18 =	simm.s32 $0x6080;
	s19 =	simm.s32 $0x6880;
	s20 =	simm.s32 $0x7080  }
0x9: {  	s28 =	simm.s32 $0xA880;
	s29 =	simm.s32 $0xB080;
	s30 =	simm.s32 $0xB880  }
0xa: {  	[dreg:$0x4] =	wrdreg s1;
	s4 =	sand.u32 $0x1, s2;
	s2 =	simm.s32 $0x0  }
0xb: {  	s31 =	simm.s32 $0x40;
	s3 =	sshll.u32 s21, $0x7;
	[smem:$0x7FF] =	sst s2  }
0xc: {  	s21 =	simm.s32 $0x7880;
	_ =	strace $0x80000047;
	[dreg:$0x8] =	wrdreg s24  }
0xd: {  	s6 =	sshll.u32 s4, $0x6;
	s4 =	ssub.s32 $0x2, s4;
	[dreg:$0x9] =	wrdreg s25  }
0xe: {  	s3 =	sor.u32 s6, s3;
	s22 =	sshrl.u32 s4, $0x1;
	[dreg:$0xa] =	wrdreg s26  }
0xf: {  	s24 =	simm.s32 $0x9080;
	s25 =	simm.s32 $0x9880;
	s6 =	sshrl.u32 s3, $0x3  }
0x10: {  	s26 =	simm.s32 $0xA080;
	s3 =	sshll.u32 s3, $0x4;
	s7 =	sadd.s32 s6, s5  }
0x11: {  	s6 =	smul.u32 $0x300, s6;
	s8 =	sadd.s32 s3, s5;
	s3 =	sadd.s32 $0x9200, s5  }
0x12: {  	s7 =	sadd.s32 $0x9000, s7;
	s23 =	sadd.s32 $0x1000, s8;
	s8 =	simm.s32 $0x80  }
0x13: {  	[dreg:$0x5] =	wrdreg s7;
	s0 =	sadd.s32 s0, s6;
	s6 =	ssub.s32 s4, s22  }
0x14: {  	v2 =	vlaneseq.u32;
	[dreg:$0x7] =	wrdreg s23;
	s4 =	sadd.s32 $0x9300, s5;
	s5 =	sadd.s32 $0x9400, s5  }
0x15: {  	vm0 =	vmmov $0xffff;
	v1 =	vshrl.u32 v2, $0x3;
	s7 =	simm.s32 $0x2;
	s22 =	simm.s32 $0x8080;
	s23 =	simm.s32 $0x8880  }
0x16: {  	v0 =	vand.u32 $0x7, v2;
	v2 =	vor.u32 $0x8, v2;
	v1 =	vmul.u32 $0x8, v1;
	[dreg:$0x6] =	wrdreg s0;
	s6 =	smax.u32 s6, $0x1;
	s0 =	simm.s32 $0x1  }
.LBB2_1:
0x17: {  	s1 =	rddreg [dreg:$0x5]  }
0x18: {  	[tilespmem:s2], [sflag:$0x2] =	stream.linear.gather [hbm4b:s1+s2], $0x40, $0x38;
	[tilespmem:$0xE080] =	vst v63  }
0x19: {  	_ =	swait.ge [sflag:s7], $0x40  }
0x1a: {  	[sflag:s7] =	ssyncset.done $0x0  }
0x1b: {  	s10 =	rddreg [dreg:$0x6];
	[sflag:s7] =	ssyncadd.s32 $0xFFFFFFC0  }
0x1c: {  	[tilespmem:s8], [sflag:$0x2] =	stream.linear.gather [hbm4b:s10+s2], $0xC000, $0x38;
	[tilespmem:$0xE080] =	vst v63  }
0x1d: {  	_ =	swait.ge [sflag:s7], $0xC000  }
0x1e: {  	[sflag:s7] =	ssyncset.done $0x0  }
0x1f: {  	s10 =	rddreg [dreg:$0x7];
	[sflag:s7] =	ssyncadd.s32 $0xFFFF4000  }
0x20: {  	[tilespmem:s9], [sflag:$0x2] =	stream.linear.gather [hbm4b:s10+s2], $0x2000, $0x38;
	[tilespmem:$0xE080] =	vst v63  }
0x21: {  	_ =	swait.ge [sflag:s7], $0x2000  }
0x22: {  	[sflag:s7] =	ssyncset.done $0x0  }
0x23: {  	[sflag:s7] =	ssyncadd.s32 $0xFFFFE000  }
0x24: {  	v3 =	vld [tilespmem:$0x0];
	_ =	sdelay $0x4  }
0x25: {  	v4 =	vshrl.u32 v3, $0x3  }
0x26: {  	v4 =	vmul.u32 $0x30, v4  }
0x27: {  	v3 =	vand.u32 $0x7, v3  }
0x28: {  	v3 =	vor.u32 v3, v4  }
0x29: {  	v4 =	vperm.xlane v3, v0;
	_ =	sdelay $0x1  }
0x2a: {  	v4 =	vadd.s32 v1, v4;
	_ =	sdelay $0x3  }
0x2b: {  	v3 =	vperm.xlane v3, v2  }
0x2c: {  	[hbm4b:s3+s2] =	stream.indirect_vreg.scatter [tilespmem:s8], [sflag:$0x1], $0x80, v4, vm0, $0xb8;
	[tilespmem:$0xE080] =	vst v63  }
0x2d: {  	s1 =	rddreg [dreg:$0x8];
	v3 =	vadd.s32 v1, v3  }
0x2e: {  	[hbm4b:s4+s2] =	stream.indirect_vreg.scatter [tilespmem:s1], [sflag:$0x1], $0x80, v4, vm0, $0xb8;
	[tilespmem:$0xE080] =	vst v63  }
0x2f: {  	s10 =	rddreg [dreg:$0x9]  }
0x30: {  	[hbm4b:s5+s2] =	stream.indirect_vreg.scatter [tilespmem:s10], [sflag:$0x1], $0x80, v4, vm0, $0xb8;
	[tilespmem:$0xE080] =	vst v63  }
0x31: {  	s1 =	rddreg [dreg:$0xa]  }
0x32: {  	[hbm4b:s3+s2] =	stream.indirect_vreg.scatter [tilespmem:s1], [sflag:$0x1], $0x80, v3, vm0, $0xb8;
	[tilespmem:$0xE080] =	vst v63  }
0x33: {  	s10 =	simm.s32 $0x2080  }
0x34: {  	[hbm4b:s4+s2] =	stream.indirect_vreg.scatter [tilespmem:s10], [sflag:$0x1], $0x80, v3, vm0, $0xb8;
	[tilespmem:$0xE080] =	vst v63  }
0x35: {  	_ = 	snop  }
0x36: {  	[hbm4b:s5+s2] =	stream.indirect_vreg.scatter [tilespmem:s11], [sflag:$0x1], $0x80, v3, vm0, $0xb8;
	[tilespmem:$0xE080] =	vst v63  }
0x37: {  	v3 =	vld [tilespmem:$0x10];
	_ =	sdelay $0x4  }
0x38: {  	v61 =	vshrl.u32 v3, $0x3  }
0x39: {  	v4 =	vmul.u32 $0x30, v61  }
0x3a: {  	v3 =	vand.u32 $0x7, v3  }
0x3b: {  	v3 =	vor.u32 v3, v4  }
0x3c: {  	v4 =	vperm.xlane v3, v0;
	_ =	sdelay $0x1  }
0x3d: {  	v4 =	vadd.s32 v1, v4;
	_ =	sdelay $0x3  }
0x3e: {  	v3 =	vperm.xlane v3, v2  }
0x3f: {  	[hbm4b:s3+s2] =	stream.indirect_vreg.scatter [tilespmem:s12], [sflag:$0x1], $0x80, v4, vm0, $0xb8;
	[tilespmem:$0xE080] =	vst v63  }
0x40: {  	v3 =	vadd.s32 v1, v3  }
0x41: {  	[hbm4b:s4+s2] =	stream.indirect_vreg.scatter [tilespmem:s13], [sflag:$0x1], $0x80, v4, vm0, $0xb8;
	[tilespmem:$0xE080] =	vst v63  }
0x42: {  	_ = 	snop  }
0x43: {  	[hbm4b:s5+s2] =	stream.indirect_vreg.scatter [tilespmem:s14], [sflag:$0x1], $0x80, v4, vm0, $0xb8;
	[tilespmem:$0xE080] =	vst v63  }
0x44: {  	_ = 	snop  }
0x45: {  	[hbm4b:s3+s2] =	stream.indirect_vreg.scatter [tilespmem:s15], [sflag:$0x1], $0x80, v3, vm0, $0xb8;
	[tilespmem:$0xE080] =	vst v63  }
0x46: {  	_ = 	snop  }
0x47: {  	[hbm4b:s4+s2] =	stream.indirect_vreg.scatter [tilespmem:s16], [sflag:$0x1], $0x80, v3, vm0, $0xb8;
	[tilespmem:$0xE080] =	vst v63  }
0x48: {  	_ = 	snop  }
0x49: {  	[hbm4b:s5+s2] =	stream.indirect_vreg.scatter [tilespmem:s17], [sflag:$0x1], $0x80, v3, vm0, $0xb8;
	[tilespmem:$0xE080] =	vst v63  }
0x4a: {  	v3 =	vld [tilespmem:$0x20];
	_ =	sdelay $0x4  }
0x4b: {  	v62 =	vshrl.u32 v3, $0x3  }
0x4c: {  	v4 =	vmul.u32 $0x30, v62  }
0x4d: {  	v3 =	vand.u32 $0x7, v3  }
0x4e: {  	v3 =	vor.u32 v3, v4  }
0x4f: {  	v4 =	vperm.xlane v3, v0;
	_ =	sdelay $0x1  }
0x50: {  	v4 =	vadd.s32 v1, v4;
	_ =	sdelay $0x3  }
0x51: {  	v3 =	vperm.xlane v3, v2  }
0x52: {  	[hbm4b:s3+s2] =	stream.indirect_vreg.scatter [tilespmem:s18], [sflag:$0x1], $0x80, v4, vm0, $0xb8;
	[tilespmem:$0xE080] =	vst v63  }
0x53: {  	v3 =	vadd.s32 v1, v3  }
0x54: {  	[hbm4b:s4+s2] =	stream.indirect_vreg.scatter [tilespmem:s19], [sflag:$0x1], $0x80, v4, vm0, $0xb8;
	[tilespmem:$0xE080] =	vst v63  }
0x55: {  	_ = 	snop  }
0x56: {  	[hbm4b:s5+s2] =	stream.indirect_vreg.scatter [tilespmem:s20], [sflag:$0x1], $0x80, v4, vm0, $0xb8;
	[tilespmem:$0xE080] =	vst v63  }
0x57: {  	_ = 	snop  }
0x58: {  	[hbm4b:s3+s2] =	stream.indirect_vreg.scatter [tilespmem:s21], [sflag:$0x1], $0x80, v3, vm0, $0xb8;
	[tilespmem:$0xE080] =	vst v63  }
0x59: {  	_ = 	snop  }
0x5a: {  	[hbm4b:s4+s2] =	stream.indirect_vreg.scatter [tilespmem:s22], [sflag:$0x1], $0x80, v3, vm0, $0xb8;
	[tilespmem:$0xE080] =	vst v63  }
0x5b: {  	_ = 	snop  }
0x5c: {  	[hbm4b:s5+s2] =	stream.indirect_vreg.scatter [tilespmem:s23], [sflag:$0x1], $0x80, v3, vm0, $0xb8;
	[tilespmem:$0xE080] =	vst v63  }
0x5d: {  	v3 =	vld [tilespmem:$0x30];
	_ =	sdelay $0x4  }
0x5e: {  	v63 =	vshrl.u32 v3, $0x3  }
0x5f: {  	v4 =	vmul.u32 $0x30, v63  }
0x60: {  	v3 =	vand.u32 $0x7, v3  }
0x61: {  	v3 =	vor.u32 v3, v4  }
0x62: {  	v4 =	vperm.xlane v3, v0;
	_ =	sdelay $0x1  }
0x63: {  	v4 =	vadd.s32 v1, v4;
	_ =	sdelay $0x3  }
0x64: {  	v3 =	vperm.xlane v3, v2  }
0x65: {  	[hbm4b:s3+s2] =	stream.indirect_vreg.scatter [tilespmem:s24], [sflag:$0x1], $0x80, v4, vm0, $0xb8;
	[tilespmem:$0xE080] =	vst v63  }
0x66: {  	v3 =	vadd.s32 v1, v3  }
0x67: {  	[hbm4b:s4+s2] =	stream.indirect_vreg.scatter [tilespmem:s25], [sflag:$0x1], $0x80, v4, vm0, $0xb8;
	[tilespmem:$0xE080] =	vst v63  }
0x68: {  	_ = 	snop  }
0x69: {  	[hbm4b:s5+s2] =	stream.indirect_vreg.scatter [tilespmem:s26], [sflag:$0x1], $0x80, v4, vm0, $0xb8;
	[tilespmem:$0xE080] =	vst v63  }
0x6a: {  	_ = 	snop  }
0x6b: {  	[hbm4b:s3+s2] =	stream.indirect_vreg.scatter [tilespmem:s28], [sflag:$0x1], $0x80, v3, vm0, $0xb8;
	[tilespmem:$0xE080] =	vst v63  }
0x6c: {  	_ = 	snop  }
0x6d: {  	[hbm4b:s4+s2] =	stream.indirect_vreg.scatter [tilespmem:s29], [sflag:$0x1], $0x80, v3, vm0, $0xb8;
	[tilespmem:$0xE080] =	vst v63  }
0x6e: {  	_ = 	snop  }
0x6f: {  	[hbm4b:s5+s2] =	stream.indirect_vreg.scatter [tilespmem:s30], [sflag:$0x1], $0x80, v3, vm0, $0xb8;
	[tilespmem:$0xE080] =	vst v63  }
0x70: {  	s10 =	rddreg [dreg:$0x4]  }
0x71: {  	[hbm4b:s10+s31] =	stream.indirect.scatter [tilespmem:s9], [sflag:$0x1], $0x80, s2, s31, $0xb8;
	[tilespmem:$0xE080] =	vst v63  }
0x72: {  	p0 =	sne.s32 s6, $0x1;
	_ =	swait.ge [sflag:s0], $0x2000  }
.Ltmp0:
0x73: {  	[sflag:s0] =	ssyncset.done $0x0;
	(pc) =	sbr.rel @p0 .LBB2_1-.Ltmp0, $4  }
0x74: {  	[sflag:s0] =	ssyncadd.s32 $0xFFFFE000  }
0x75: {  	_ =	swait.ge [sflag:s0], $0xC000  }
0x76: {  	[sflag:s0] =	ssyncset.done $0x0  }
0x77: {  	s6 =	sadd.s32 $0xFFFFFFFF, s6;
	[sflag:s0] =	ssyncadd.s32 $0xFFFF4000  }
0x78: {  	_ =	sfence.sel $0x180000  }
0x79: {  	[bflag:$0x0] =	sbarrier.arrive $0xFFFF  }
0x7a: {  	_ =	strace $0x90000047  }
0x7b: {  	s0 =	stileid.u32;
	[bflag:$0x2] =	sbarrier.arrive $0xFFFF  }
0x7c: {  	p0 =	sne.s32 s0, $0x0;
	s0 =	rddreg [dreg:$0x3]  }
0x7d: {  	s0 =	sadd.s32 @!p0 $0x100000, s0  }
0x7e: {  	[sflag:s0] =	ssyncadd.tile.s32 @!p0 $0x1;
	_ =	shalt  }
.Lfunc_end2:
_tile_overlayer_lowered:
.L_overlay_start_2:
0x7f: {  	(tag) =	ssettag $0x2  }
0x80: {  	s0 =	rddreg [dreg:$0x0];
	s2 =	stileid.u32  }
0x81: {  	s1 =	rddreg [dreg:$0x1];
	p0 =	sne.s32 s2, $0x0  }
0x82: {  	s3 =	rddreg [dreg:$0x2];
	[bflag:$0x3] =	sbarrier.arrive $0xFFFF;
	s2 =	simm.s32 @!p0 $0x1C02  }
0x83: {  	[timem:s3], [sflag:s2] =	dma.local @!p0 [hbm:s0], s1  }
0x84: {  	s0 =	simm.s32 @!p0 $0x2  }
0x85: {  	_ =	swait.ge @!p0 [sflag:s0], s1  }
0x86: {  	s1 =	ssub.s32 @!p0 $0x0, s1;
	[sflag:s0] =	ssyncset.done @!p0 $0x0  }
0x87: {  	[sflag:s0] =	ssyncadd.s32 @!p0 s1  }
0x88: {  	[bflag:$0x3] =	sbarrier.arrive $0xFFFF  }
0x89: {  	_ =	shalt  }

// kernel: kernel.9.cloned.1.call-start
scs
__scs_entry_jumppad:
0x0: {  	(pc) =	sbr.rel $0x88, $3  }
0x1: {  	(tag) =	ssettag $0x0;
	lr =	simm.s32 $0x1  }
0x2: {  	[smem:$0x3F9D] =	sst lr;
	_ =	strace $0xD0000000  }
0x3: {  	_ = 	snop  }
0x4: {  	_ = 	snop  }
0x5: {  	_ = 	snop  }
0x6: {  	_ = 	snop  }
0x7: {  	_ = 	snop  }
__scs_overlays_trampoline_lowered:
0x8: {  	[smem:$0x3FAC] =	sst s0  }
0x9: {  	[smem:$0x3FAD] =	sst s1  }
0xa: {  	[smem:$0x3FAE] =	sst s2  }
0xb: {  	[smem:$0x3FAF] =	sst s3  }
0xc: {  	[smem:$0x3FB0] =	sst s4  }
0xd: {  	[smem:$0x3FB1] =	sst s5  }
0xe: {  	[smem:$0x3FB2] =	sst s6  }
0xf: {  	[smem:$0x3FB3] =	sst s7  }
0x10: {  	[smem:$0x3FB4] =	sst s8  }
0x11: {  	[smem:$0x3FB5] =	sst s9;
	s0 =	simm.s32 @!p0 $0x0  }
0x12: {  	s1 =	sld [smem:$0x3F9B];
	s0 =	simm.s32 @p0 $0x1  }
0x13: {  	[smem:$0x3FB6] =	sst s0;
	s0 =	simm.s32 @!p1 $0x0  }
0x14: {  	s2 =	sld [smem:$0x3F9A];
	s0 =	simm.s32 @p1 $0x1  }
0x15: {  	[smem:$0x3FB7] =	sst s0;
	s0 =	simm.s32 @!p2 $0x0  }
0x16: {  	s3 =	sld [smem:$0x3FDB];
	s0 =	simm.s32 @p2 $0x1  }
0x17: {  	s4 =	simm.s32 $0x1BF5;
	[smem:$0x3FB9] =	sst s0  }
0x18: {  	s0 =	sld [smem:$0x3F9C];
	_ =	swait.ge [sflag:s4], $0x0  }
0x19: {  	s7 =	sld [smem:$0x3F9D]  }
0x1a: {  	s8 =	sadd.s32 $0xFFFFE003, lr  }
0x1b: {  	s9 =	sadd.s32 $0xFFFFFEF7, lr;
	s5 =	simm.s32 $0xFFFFFFFF;
	p2 =	slt.u32 s8, $0xFFFFF086  }
0x1c: {  	p1 =	slt.u32 s9, $0xF7A;
	s5 =	simm.s32 @!p2 $0x0  }
0x1d: {  	s5 =	simm.s32 @p1 $0x1;
	p0 =	seq.s32 s7, s2  }
0x1e: {  	s7 =	smul.u32 @!p0 $0xF7A, s2;
	p2 =	seq.s32 @!p0 s5, $0x0  }
0x1f: {  	s9 =	smul.u32 $0xF7A, s1;
	s8 =	simm.s32 @!p0 $0x1BF5;
	p2 =	por !p2, p0  }
0x20: {  	[sflag:s8] =	ssyncset.s32 @!p0 $0xFFFFF086;
	s6 =	sadd.s32 @!p0 s3, s7;
	s7 =	simm.s32 @!p0 $0x108  }
0x21: {  	s3 =	sadd.s32 s3, s9;
	s6 =	sadd.s32 @!p0 $0x88, s6;
	s7 =	simm.s32 @p2 $0x1082  }
0x22: {  	[simem:s7], [sflag:s8] =	dma.local @!p0 [hbm:s6], $0xF7A  }
0x23: {  	s9 =	sor.u32 $0xD0000000, s2;
	s6 =	simm.s32 $0x108;
	_ =	swait.ge @!p0 [sflag:s8], $0x0  }
0x24: {  	s3 =	sadd.s32 $0x88, s3;
	s6 =	simm.s32 @!p1 $0x1082;
	[sflag:s4] =	ssyncset.s32 $0xFFFFF086  }
0x25: {  	[simem:s6], [sflag:s4] =	dma.local [hbm:s3], $0xF7A  }
0x26: {  	[smem:$0x3F9D] =	sst s1;
	(tag) =	ssettag s2;
	_ =	strace s9  }
0x27: {  	s1 =	sld [smem:$0x3FAD]  }
0x28: {  	s2 =	sld [smem:$0x3FAE]  }
0x29: {  	s4 =	sld [smem:$0x3FB0]  }
0x2a: {  	p0 =	seq.s32 s5, $0x0;
	s5 =	sld [smem:$0x3FB1]  }
0x2b: {  	s6 =	sld [smem:$0x3FB2]  }
0x2c: {  	s7 =	sld [smem:$0x3FB3]  }
0x2d: {  	s3 =	simm.s32 $0x108;
	s8 =	sld [smem:$0x3FB4]  }
0x2e: {  	s3 =	simm.s32 @!p0 $0x1082;
	s9 =	sld [smem:$0x3FB5]  }
0x2f: {  	lr =	sadd.s32 s0, s3;
	s0 =	sld [smem:$0x3FAC]  }
0x30: {  	s3 =	sld [smem:$0x3FAF]  }
0x31: {  	[smem:$0x3FB8] =	sst s10  }
0x32: {  	s10 =	sld [smem:$0x3FB6];
	_ =	sdelay $0x3  }
0x33: {  	p0 =	seq.s32 s10, $0x1;
	s10 =	sld [smem:$0x3FB8];
	_ =	sdelay $0x3  }
0x34: {  	[smem:$0x3FB8] =	sst s10  }
0x35: {  	s10 =	sld [smem:$0x3FB7];
	_ =	sdelay $0x3  }
0x36: {  	p1 =	seq.s32 s10, $0x1;
	s10 =	sld [smem:$0x3FB8];
	_ =	sdelay $0x3  }
0x37: {  	[smem:$0x3FB8] =	sst s10  }
0x38: {  	s10 =	sld [smem:$0x3FB9]  }
0x39: {  	_ = 	snop;
	(pc) =	sbr.ind lr, $3  }
0x3a: {  	_ = 	snop  }
0x3b: {  	_ = 	snop  }
0x3c: {  	p2 =	seq.s32 s10, $0x1;
	s10 =	sld [smem:$0x3FB8]  }
0x3d: {  	_ =	shalt  }
0x3e: {  	_ =	shalt  }
0x3f: {  	_ =	shalt  }
0x40: {  	_ =	shalt  }
0x41: {  	_ =	shalt  }
0x42: {  	_ =	shalt  }
0x43: {  	_ =	shalt  }
0x44: {  	_ =	shalt  }
0x45: {  	_ =	shalt  }
0x46: {  	_ =	shalt  }
0x47: {  	_ =	shalt  }
0x48: {  	_ =	shalt  }
0x49: {  	_ =	shalt  }
0x4a: {  	_ =	shalt  }
0x4b: {  	_ =	shalt  }
0x4c: {  	_ =	shalt  }
0x4d: {  	_ =	shalt  }
0x4e: {  	_ =	shalt  }
0x4f: {  	_ =	shalt  }
0x50: {  	_ =	shalt  }
0x51: {  	_ =	shalt  }
0x52: {  	_ =	shalt  }
0x53: {  	_ =	shalt  }
0x54: {  	_ =	shalt  }
0x55: {  	_ =	shalt  }
0x56: {  	_ =	shalt  }
0x57: {  	_ =	shalt  }
0x58: {  	_ =	shalt  }
0x59: {  	_ =	shalt  }
0x5a: {  	_ =	shalt  }
0x5b: {  	_ =	shalt  }
0x5c: {  	_ =	shalt  }
0x5d: {  	_ =	shalt  }
0x5e: {  	_ =	shalt  }
0x5f: {  	_ =	shalt  }
0x60: {  	_ =	shalt  }
0x61: {  	_ =	shalt  }
0x62: {  	_ =	shalt  }
0x63: {  	_ =	shalt  }
0x64: {  	_ =	shalt  }
0x65: {  	_ =	shalt  }
0x66: {  	_ =	shalt  }
0x67: {  	_ =	shalt  }
0x68: {  	_ =	shalt  }
0x69: {  	_ =	shalt  }
0x6a: {  	_ =	shalt  }
0x6b: {  	_ =	shalt  }
0x6c: {  	_ =	shalt  }
0x6d: {  	_ =	shalt  }
0x6e: {  	_ =	shalt  }
0x6f: {  	_ =	shalt  }
0x70: {  	_ =	shalt  }
0x71: {  	_ =	shalt  }
0x72: {  	_ =	shalt  }
0x73: {  	_ =	shalt  }
0x74: {  	_ =	shalt  }
0x75: {  	_ =	shalt  }
0x76: {  	_ =	shalt  }
0x77: {  	_ =	shalt  }
0x78: {  	_ =	shalt  }
0x79: {  	_ =	shalt  }
0x7a: {  	_ =	shalt  }
0x7b: {  	_ =	shalt  }
0x7c: {  	_ =	shalt  }
0x7d: {  	_ =	shalt  }
0x7e: {  	_ =	shalt  }
0x7f: {  	_ =	shalt  }
0x80: {  	_ =	shalt  }
0x81: {  	_ =	shalt  }
0x82: {  	_ =	shalt  }
0x83: {  	_ =	shalt  }
0x84: {  	_ =	shalt  }
0x85: {  	_ =	shalt  }
0x86: {  	_ =	shalt  }
0x87: {  	_ =	shalt  }
.Lfunc_end0:
.L_simem_size_0:
called_computation.1_lowered:
.L_overlay_start_0:
0x88: {  	s2 =	sld [smem:$0x3FD9]  }
0x89: {  	s3 =	sld [smem:$0x3FFE];
	_ =	sdelay $0x1  }
0x8a: {  	s1 =	srdreg.scid  }
0x8b: {  	s0 =	sand.u32 $0x1, s1  }
0x8c: {  	s17 =	sshll.u32 s0, $0xA;
	s2 =	sadd.s32 s3, s2  }
0x8d: {  	s2 =	sadd.s32 s2, s17  }
0x8e: {  	[smem:$0x3FC4] =	sst s2  }
0x8f: {  	_ = 	snop  }
0x90: {  	s2 =	sld [smem:$0x3FD0];
	(tm) =	ssettm $0x1  }
0x91: {  	s18 =	sld [smem:$0x3FFB];
	_ =	sdelay $0x3  }
0x92: {  	_ =	strace s18  }
0x93: {  	s3 =	sld [smem:$0x3FFC];
	_ =	sdelay $0x3  }
0x94: {  	_ =	strace s3  }
0x95: {  	s3 =	sld [smem:$0x3FFD];
	_ =	sdelay $0x3  }
0x96: {  	_ =	strace s3  }
0x97: {  	_ =	strace $0x8FFFFFFF  }
0x98: {  	s19 =	sld [smem:$0x3FDB];
	_ =	sdelay $0x1  }
0x99: {  	s4 =	simm.s32 $_scs_section_size  }
0x9a: {  	s5 =	simm.s32 $_size__tile_overlayer_lowered;
	s6 =	simm.s32 $_tile_overlayer_lowered  }
0x9b: {  	s22 =	simm.s32 $0x1BFF;
	s21 =	sshll.u32 s6, $0x1;
	s3 =	sadd.s32 s4, s19  }
0x9c: {  	s7 =	simm.s32 $0x0;
	s20 =	sshll.u32 s5, $0x1;
	s5 =	sadd.s32 s21, s3  }
0x9d: {  	[timem:s7], [sflag:s22] =	dma.local [hbm:s5], s20  }
0x9e: {  	_ =	swait.ge [sflag:s22], s20  }
0x9f: {  	s4 =	ssub.s32 $0x0, s20;
	[sflag:s22] =	ssyncset.done $0x0  }
0xa0: {  	[sflag:s22] =	ssyncadd.s32 s4;
	_ =	sdelay $0x1  }
0xa1: {  	s23 =	simm.s32 $0x1B8B  }
0xa2: {  	_ =	swait.ge [sflag:s23], $0x1  }
0xa3: {  	[sflag:s23] =	ssyncset.done $0x0  }
0xa4: {  	s25 =	simm.s32 $0x1B8E;
	s24 =	sld [smem:$0x3FFE];
	[sflag:s23] =	ssyncadd.s32 $0xFFFFFFFF  }
0xa5: {  	s26 =	simm.s32 $execute0_lowered;
	[smem:$0x3FD2] =	sst s25  }
0xa6: {  	s5 =	sshll.u32 s26, $0x1;
	_ =	strace $0x80000049;
	[dreg:$0x1] =	wrdreg $0xFFFFFFFF  }
0xa7: {  	s28 =	simm.s32 $_size_execute0_lowered;
	s3 =	sadd.s32 s3, s5;
	[dreg:$0x0] =	wrdreg $0x0  }
0xa8: {  	s5 =	sshll.u32 s28, $0x1;
	[dreg:$0x2] =	wrdreg s3  }
0xa9: {  	[dreg:$0x3] =	wrdreg s5  }
0xaa: {  	[dreg:$0x4] =	wrdreg $0xC0  }
0xab: {  	_ =	task [dreg:s7], $0x5FFFF  }
0xac: {  	[dreg:$0x1] =	wrdreg $0xFFFFFFFF  }
0xad: {  	[dreg:$0x0] =	wrdreg $0x60  }
0xae: {  	[dreg:$0x2] =	wrdreg s24  }
0xaf: {  	[dreg:$0x3] =	wrdreg s2  }
0xb0: {  	[dreg:$0x4] =	wrdreg $0x9  }
0xb1: {  	_ =	task.clear_ibuf [dreg:s7], $0x5FFFF;
	_ =	strace $0x90000049  }
0xb2: {  	s29 =	simm.s32 $0x9;
	_ =	strace $0x8000004B  }
0xb3: {  	_ =	swait.ge [sflag:s29], $0x1  }
0xb4: {  	[sflag:s29] =	ssyncadd.s32 $0xFFFFFFFF  }
0xb5: {  	_ =	strace $0x9000004B  }
0xb6: {  	_ =	sfence  }
0xb7: {  	s30 =	sld [smem:$0x0];
	_ =	sdelay $0x2  }
0xb8: {  	s31 =	sshll.u32 s1, $0xD;
	s1 =	sshrl.u32 s1, $0x2  }
0xb9: {  	s3 =	sand.u32 $0x4000, s31;
	s1 =	sadd.s32 s1, s30  }
0xba: {  	s0 =	sor.u32 s3, s0;
	s1 =	sshll.u32 s1, $0x11  }
0xbb: {  	s0 =	sor.u32 s1, s0  }
0xbc: {  	s0 =	sadd.s32 $0x8F2B, s0  }
0xbd: {  	[sflag:s0] =	ssyncadd.remote.s32 $0x1  }
0xbe: {  	_ =	sfence.sel $0xFFFF  }
0xbf: {  	[dreg:$0x0] =	wrdreg $0xFFFFFFFF;
	(pc) =	sbr.abs _section_cstart, $3  }
0xc0: {  	[dreg:$0x1] =	wrdreg $0xFFFFFFFF  }
0xc1: {  	_ =	task.clear_ibuf [dreg:s7], $0x2FFFF;
	_ =	strace $0x9FFFFFFF  }
0xc2: {  	(tm) =	ssettm $0x7FFFFFFF  }
0xc3: {  	_ =	shalt  }
tec
execute0_lowered:
.L_overlay_start_1:
0x0: {  	(tag) =	ssettag $0x1  }
0x1: {  	s0 =	rddreg [dreg:$0x0]  }
0x2: {  	s5 =	rddreg [dreg:$0x1];
	s3 =	srdreg.scid  }
0x3: {  	s2 =	simm.s32 $0x0;
	s1 =	stileid.u32;
	s26 =	simm.s32 $0x880  }
0x4: {  	s10 =	simm.s32 $0x1880;
	s11 =	simm.s32 $0x2080;
	s12 =	simm.s32 $0x2880  }
0x5: {  	s13 =	simm.s32 $0x3080;
	s14 =	simm.s32 $0x3880;
	s15 =	simm.s32 $0x4080  }
0x6: {  	s16 =	simm.s32 $0x4880;
	s17 =	simm.s32 $0x5080;
	s18 =	simm.s32 $0x5880  }
0x7: {  	s19 =	simm.s32 $0x6080;
	s20 =	simm.s32 $0x6880;
	s21 =	simm.s32 $0x7080  }
0x8: {  	s22 =	simm.s32 $0x7880;
	s28 =	simm.s32 $0xA080;
	s29 =	simm.s32 $0xA880  }
0x9: {  	s30 =	simm.s32 $0xB080;
	s31 =	simm.s32 $0xB880;
	s3 =	sand.u32 $0x1, s3  }
0xa: {  	[smem:$0x7FF] =	sst s2;
	s4 =	sshll.u32 s1, $0x4;
	s6 =	sshll.u32 s3, $0x3  }
0xb: {  	_ =	strace $0x8000004A;
	s23 =	ssub.s32 $0x2, s3;
	s3 =	sadd.s32 $0x9200, s0  }
0xc: {  	[dreg:$0x5] =	wrdreg s26;
	s26 =	simm.s32 $0x9880;
	s4 =	sor.u32 s6, s4  }
0xd: {  	s8 =	sshrl.u32 s23, $0x1;
	s7 =	sadd.s32 s4, s0;
	s9 =	smul.u32 $0x300, s4  }
0xe: {  	s6 =	ssub.s32 s23, s8;
	s4 =	sadd.s32 $0x9300, s0;
	s8 =	simm.s32 $0x80  }
0xf: {  	s23 =	simm.s32 $0x8080;
	s24 =	sadd.s32 $0x9000, s7;
	s6 =	smax.u32 s6, $0x1  }
0x10: {  	v2 =	vlaneseq.u32;
	s7 =	simm.s32 $0x2;
	[dreg:$0x3] =	wrdreg s24;
	s25 =	sadd.s32 s5, s9  }
0x11: {  	vm0 =	vmmov $0xffff;
	v1 =	vshrl.u32 v2, $0x3;
	s5 =	sadd.s32 $0x9400, s0;
	s9 =	simm.s32 $0x1080;
	s24 =	simm.s32 $0x8880  }
0x12: {  	v0 =	vand.u32 $0x7, v2;
	v2 =	vor.u32 $0x8, v2;
	v1 =	vmul.u32 $0x8, v1;
	s0 =	simm.s32 $0x1;
	[dreg:$0x4] =	wrdreg s25;
	s25 =	simm.s32 $0x9080  }
.LBB2_1:
0x13: {  	s1 =	rddreg [dreg:$0x3]  }
0x14: {  	[tilespmem:s2], [sflag:$0x2] =	stream.linear.gather [hbm4b:s1+s2], $0x40, $0x38;
	[tilespmem:$0xC080] =	vst v63  }
0x15: {  	_ =	swait.ge [sflag:s7], $0x40  }
0x16: {  	[sflag:s7] =	ssyncset.done $0x0  }
0x17: {  	[sflag:s7] =	ssyncadd.s32 $0xFFFFFFC0  }
0x18: {  	v3 =	vld [tilespmem:$0x0];
	_ =	sdelay $0x4  }
0x19: {  	v4 =	vshrl.u32 v3, $0x3  }
0x1a: {  	v4 =	vmul.u32 $0x30, v4  }
0x1b: {  	v3 =	vand.u32 $0x7, v3  }
0x1c: {  	v3 =	vor.u32 v3, v4  }
0x1d: {  	v4 =	vperm.xlane v3, v0;
	_ =	sdelay $0x1  }
0x1e: {  	v4 =	vadd.s32 v1, v4;
	_ =	sdelay $0x3  }
0x1f: {  	v3 =	vperm.xlane v3, v2  }
0x20: {  	[tilespmem:s8], [sflag:$0x1] =	stream.indirect_vreg.gather [hbm4b:s3+s2], $0x80, v4, vm0, $0xb8;
	[tilespmem:$0xC080] =	vst v63  }
0x21: {  	s1 =	rddreg [dreg:$0x5];
	v3 =	vadd.s32 v1, v3  }
0x22: {  	[tilespmem:s1], [sflag:$0x1] =	stream.indirect_vreg.gather [hbm4b:s4+s2], $0x80, v4, vm0, $0xb8;
	[tilespmem:$0xC080] =	vst v63  }
0x23: {  	_ = 	snop  }
0x24: {  	[tilespmem:s9], [sflag:$0x1] =	stream.indirect_vreg.gather [hbm4b:s5+s2], $0x80, v4, vm0, $0xb8;
	[tilespmem:$0xC080] =	vst v63  }
0x25: {  	_ = 	snop  }
0x26: {  	[tilespmem:s10], [sflag:$0x1] =	stream.indirect_vreg.gather [hbm4b:s3+s2], $0x80, v3, vm0, $0xb8;
	[tilespmem:$0xC080] =	vst v63  }
0x27: {  	_ = 	snop  }
0x28: {  	[tilespmem:s11], [sflag:$0x1] =	stream.indirect_vreg.gather [hbm4b:s4+s2], $0x80, v3, vm0, $0xb8;
	[tilespmem:$0xC080] =	vst v63  }
0x29: {  	_ = 	snop  }
0x2a: {  	[tilespmem:s12], [sflag:$0x1] =	stream.indirect_vreg.gather [hbm4b:s5+s2], $0x80, v3, vm0, $0xb8;
	[tilespmem:$0xC080] =	vst v63  }
0x2b: {  	v3 =	vld [tilespmem:$0x10];
	_ =	sdelay $0x4  }
0x2c: {  	v61 =	vshrl.u32 v3, $0x3  }
0x2d: {  	v4 =	vmul.u32 $0x30, v61  }
0x2e: {  	v3 =	vand.u32 $0x7, v3  }
0x2f: {  	v3 =	vor.u32 v3, v4  }
0x30: {  	v4 =	vperm.xlane v3, v0;
	_ =	sdelay $0x1  }
0x31: {  	v4 =	vadd.s32 v1, v4;
	_ =	sdelay $0x3  }
0x32: {  	v3 =	vperm.xlane v3, v2  }
0x33: {  	[tilespmem:s13], [sflag:$0x1] =	stream.indirect_vreg.gather [hbm4b:s3+s2], $0x80, v4, vm0, $0xb8;
	[tilespmem:$0xC080] =	vst v63  }
0x34: {  	v3 =	vadd.s32 v1, v3  }
0x35: {  	[tilespmem:s14], [sflag:$0x1] =	stream.indirect_vreg.gather [hbm4b:s4+s2], $0x80, v4, vm0, $0xb8;
	[tilespmem:$0xC080] =	vst v63  }
0x36: {  	_ = 	snop  }
0x37: {  	[tilespmem:s15], [sflag:$0x1] =	stream.indirect_vreg.gather [hbm4b:s5+s2], $0x80, v4, vm0, $0xb8;
	[tilespmem:$0xC080] =	vst v63  }
0x38: {  	_ = 	snop  }
0x39: {  	[tilespmem:s16], [sflag:$0x1] =	stream.indirect_vreg.gather [hbm4b:s3+s2], $0x80, v3, vm0, $0xb8;
	[tilespmem:$0xC080] =	vst v63  }
0x3a: {  	_ = 	snop  }
0x3b: {  	[tilespmem:s17], [sflag:$0x1] =	stream.indirect_vreg.gather [hbm4b:s4+s2], $0x80, v3, vm0, $0xb8;
	[tilespmem:$0xC080] =	vst v63  }
0x3c: {  	_ = 	snop  }
0x3d: {  	[tilespmem:s18], [sflag:$0x1] =	stream.indirect_vreg.gather [hbm4b:s5+s2], $0x80, v3, vm0, $0xb8;
	[tilespmem:$0xC080] =	vst v63  }
0x3e: {  	v3 =	vld [tilespmem:$0x20];
	_ =	sdelay $0x4  }
0x3f: {  	v62 =	vshrl.u32 v3, $0x3  }
0x40: {  	v4 =	vmul.u32 $0x30, v62  }
0x41: {  	v3 =	vand.u32 $0x7, v3  }
0x42: {  	v3 =	vor.u32 v3, v4  }
0x43: {  	v4 =	vperm.xlane v3, v0;
	_ =	sdelay $0x1  }
0x44: {  	v4 =	vadd.s32 v1, v4;
	_ =	sdelay $0x3  }
0x45: {  	v3 =	vperm.xlane v3, v2  }
0x46: {  	[tilespmem:s19], [sflag:$0x1] =	stream.indirect_vreg.gather [hbm4b:s3+s2], $0x80, v4, vm0, $0xb8;
	[tilespmem:$0xC080] =	vst v63  }
0x47: {  	v3 =	vadd.s32 v1, v3  }
0x48: {  	[tilespmem:s20], [sflag:$0x1] =	stream.indirect_vreg.gather [hbm4b:s4+s2], $0x80, v4, vm0, $0xb8;
	[tilespmem:$0xC080] =	vst v63  }
0x49: {  	_ = 	snop  }
0x4a: {  	[tilespmem:s21], [sflag:$0x1] =	stream.indirect_vreg.gather [hbm4b:s5+s2], $0x80, v4, vm0, $0xb8;
	[tilespmem:$0xC080] =	vst v63  }
0x4b: {  	_ = 	snop  }
0x4c: {  	[tilespmem:s22], [sflag:$0x1] =	stream.indirect_vreg.gather [hbm4b:s3+s2], $0x80, v3, vm0, $0xb8;
	[tilespmem:$0xC080] =	vst v63  }
0x4d: {  	_ = 	snop  }
0x4e: {  	[tilespmem:s23], [sflag:$0x1] =	stream.indirect_vreg.gather [hbm4b:s4+s2], $0x80, v3, vm0, $0xb8;
	[tilespmem:$0xC080] =	vst v63  }
0x4f: {  	_ = 	snop  }
0x50: {  	[tilespmem:s24], [sflag:$0x1] =	stream.indirect_vreg.gather [hbm4b:s5+s2], $0x80, v3, vm0, $0xb8;
	[tilespmem:$0xC080] =	vst v63  }
0x51: {  	v3 =	vld [tilespmem:$0x30];
	_ =	sdelay $0x4  }
0x52: {  	v63 =	vshrl.u32 v3, $0x3  }
0x53: {  	v4 =	vmul.u32 $0x30, v63  }
0x54: {  	v3 =	vand.u32 $0x7, v3  }
0x55: {  	v3 =	vor.u32 v3, v4  }
0x56: {  	v4 =	vperm.xlane v3, v0;
	_ =	sdelay $0x1  }
0x57: {  	v4 =	vadd.s32 v1, v4;
	_ =	sdelay $0x3  }
0x58: {  	v3 =	vperm.xlane v3, v2  }
0x59: {  	[tilespmem:s25], [sflag:$0x1] =	stream.indirect_vreg.gather [hbm4b:s3+s2], $0x80, v4, vm0, $0xb8;
	[tilespmem:$0xC080] =	vst v63  }
0x5a: {  	v3 =	vadd.s32 v1, v3  }
0x5b: {  	[tilespmem:s26], [sflag:$0x1] =	stream.indirect_vreg.gather [hbm4b:s4+s2], $0x80, v4, vm0, $0xb8;
	[tilespmem:$0xC080] =	vst v63  }
0x5c: {  	_ = 	snop  }
0x5d: {  	[tilespmem:s28], [sflag:$0x1] =	stream.indirect_vreg.gather [hbm4b:s5+s2], $0x80, v4, vm0, $0xb8;
	[tilespmem:$0xC080] =	vst v63  }
0x5e: {  	_ = 	snop  }
0x5f: {  	[tilespmem:s29], [sflag:$0x1] =	stream.indirect_vreg.gather [hbm4b:s3+s2], $0x80, v3, vm0, $0xb8;
	[tilespmem:$0xC080] =	vst v63  }
0x60: {  	_ = 	snop  }
0x61: {  	[tilespmem:s30], [sflag:$0x1] =	stream.indirect_vreg.gather [hbm4b:s4+s2], $0x80, v3, vm0, $0xb8;
	[tilespmem:$0xC080] =	vst v63  }
0x62: {  	_ = 	snop  }
0x63: {  	[tilespmem:s31], [sflag:$0x1] =	stream.indirect_vreg.gather [hbm4b:s5+s2], $0x80, v3, vm0, $0xb8;
	[tilespmem:$0xC080] =	vst v63  }
0x64: {  	_ =	swait.ge [sflag:s0], $0xC000  }
0x65: {  	p0 =	sne.s32 s6, $0x1;
	[sflag:s0] =	ssyncset.done $0x0  }
.Ltmp0:
0x66: {  	s1 =	rddreg [dreg:$0x4];
	[sflag:s0] =	ssyncadd.s32 $0xFFFF4000;
	(pc) =	sbr.rel @p0 .LBB2_1-.Ltmp0, $4  }
0x67: {  	[hbm4b:s1+s2] =	stream.linear.scatter [tilespmem:s8], [sflag:$0x2], $0xC000, $0x38;
	[tilespmem:$0xC080] =	vst v63  }
0x68: {  	_ =	swait.ge [sflag:s7], $0xC000  }
0x69: {  	[sflag:s7] =	ssyncset.done $0x0  }
0x6a: {  	s6 =	sadd.s32 $0xFFFFFFFF, s6;
	[sflag:s7] =	ssyncadd.s32 $0xFFFF4000  }
0x6b: {  	_ =	sfence.sel $0x180000  }
0x6c: {  	[bflag:$0x0] =	sbarrier.arrive $0xFFFF  }
0x6d: {  	_ =	strace $0x9000004A  }
0x6e: {  	s0 =	stileid.u32;
	[bflag:$0x2] =	sbarrier.arrive $0xFFFF  }
0x6f: {  	p0 =	sne.s32 s0, $0x0;
	s0 =	rddreg [dreg:$0x2]  }
0x70: {  	s0 =	sadd.s32 @!p0 $0x100000, s0  }
0x71: {  	[sflag:s0] =	ssyncadd.tile.s32 @!p0 $0x1;
	_ =	shalt  }
.Lfunc_end2:
_tile_overlayer_lowered:
.L_overlay_start_2:
0x72: {  	(tag) =	ssettag $0x2  }
0x73: {  	s0 =	rddreg [dreg:$0x0];
	s2 =	stileid.u32  }
0x74: {  	s1 =	rddreg [dreg:$0x1];
	p0 =	sne.s32 s2, $0x0  }
0x75: {  	s3 =	rddreg [dreg:$0x2];
	[bflag:$0x3] =	sbarrier.arrive $0xFFFF;
	s2 =	simm.s32 @!p0 $0x1C02  }
0x76: {  	[timem:s3], [sflag:s2] =	dma.local @!p0 [hbm:s0], s1  }
0x77: {  	s0 =	simm.s32 @!p0 $0x2  }
0x78: {  	_ =	swait.ge @!p0 [sflag:s0], s1  }
0x79: {  	s1 =	ssub.s32 @!p0 $0x0, s1;
	[sflag:s0] =	ssyncset.done @!p0 $0x0  }
0x7a: {  	[sflag:s0] =	ssyncadd.s32 @!p0 s1  }
0x7b: {  	[bflag:$0x3] =	sbarrier.arrive $0xFFFF  }
0x7c: {  	_ =	shalt  }

</sc_bundles>
